<compile_context>
chip_gen: v7x
topology: tpu7x:2x2x1
jax: 0.10.2.dev20260603
libtpu: 0.0.44.dev20260713+nightly
codegen_flags: <defaults>
</compile_context>

<pallas_src>
import functools

import jax
import jax.numpy as jnp
from jax import lax
from jax.experimental import pallas as pl
from jax.experimental.pallas import tpu as pltpu
from jax.experimental.pallas import tpu_sc as plsc

_NUM_TAGS = 32
_SHIFT = 128
_L = _NUM_TAGS * _SHIFT
_D = 512
_B = 8
_K = 8
_LBLK = 512
_LANES = 16
_TAGS_PER_WORKER = 8
_CHUNK = _TAGS_PER_WORKER * _SHIFT


def _bcast_kernel(emb_ref, out_ref):
    x = emb_ref[...]
    out_ref[...] = jnp.broadcast_to(x[None], (_B, _LBLK, _D))


_sc_mesh = plsc.VectorSubcoreMesh(
    core_axis_name="c", subcore_axis_name="s", num_cores=1
)
_HALF = _L // 2


@functools.partial(
    pl.kernel,
    out_type=jax.ShapeDtypeStruct((_B * _L,), jnp.int32),
    mesh=_sc_mesh,
    scratch_types=[
        pltpu.VMEM((_B * _K + _LANES,), jnp.int32),
        pltpu.VMEM((_HALF,), jnp.int32),
    ],
)
def _sc_mask(tags_hbm, out_hbm, tags_v, chunk_v):
    wid = lax.axis_index("s")
    b = wid // 2
    h = wid % 2
    pltpu.sync_copy(tags_hbm, tags_v.at[pl.ds(0, _B * _K)])
    tv = tags_v[pl.ds(b * _K, _LANES)]
    t0 = h * (_NUM_TAGS // 2)
    for ti in range(_NUM_TAGS // 2):
        t = t0 + ti
        hit = jnp.int32(0)
        for k in range(_K):
            hit = hit | jnp.where(tv[k] == t, jnp.int32(1), jnp.int32(0))
        val = lax.broadcast(hit, (_LANES,))
        for j in range(_SHIFT // _LANES):
            chunk_v[pl.ds(ti * _SHIFT + j * _LANES, _LANES)] = val
    pltpu.sync_copy(chunk_v, out_hbm.at[pl.ds(wid * _HALF, _HALF)])


def kernel(tags, embedding):
    num_l = _L // _LBLK
    mask = _sc_mask(tags.astype(jnp.int32).reshape(_B * _K)).reshape(_B, _L)
    embed = pl.pallas_call(
        _bcast_kernel,
        grid=(num_l,),
        in_specs=[pl.BlockSpec((_LBLK, _D), lambda l: (l, 0))],
        out_specs=pl.BlockSpec((_B, _LBLK, _D), lambda l: (0, l, 0)),
        out_shape=jax.ShapeDtypeStruct((_B, _L, _D), jnp.float32),
    )(embedding)
    return embed, mask

# --- scband reference (transcript-rebuilt; emitter-appended) ---
"""Pipeline reference for scband-algorithm-embedding-layer-19542101197013 (READ-ONLY COPY).

The authoritative reference and input builder live on the scoring server;
editing this copy changes nothing except your own understanding.
"""

import jax, jax.numpy as jnp
import numpy as np

NUM_TAGS = 32
SHIFT = 128
L = NUM_TAGS * SHIFT  # 4096, total prefix length (shape[0])
D = 512               # dimension (shape[1])
B = 8                 # batch of tag-sets
K = 8                 # tags per sample


def setup_inputs(seed: int = 0) -> dict:
    key = jax.random.key(seed)
    k1, k2 = jax.random.split(key)
    tags = jax.random.randint(k1, (B, K), 0, NUM_TAGS)  # int tag ids per sample
    # learned parameter: self.embedding = nn.Parameter(torch.randn(self.shape))
    embedding = jax.random.normal(k2, (L, D), dtype=jnp.float32)
    return {"tags": tags, "embedding": embedding}


def reference(tags, embedding):
    # DummyLayer MLP is identity (reparametrization=False path):
    emb = embedding
    # tag t occupies rows [start_t, start_t + shift_t); starts accumulate in abs_pos order
    starts = jnp.arange(NUM_TAGS, dtype=jnp.int32) * SHIFT
    tag_starts = starts[tags]                 # [B, K] gather
    tag_ends = tag_starts + SHIFT             # [B, K]
    pos = jnp.arange(L, dtype=jnp.int32)      # [L]
    # 'full' scheme: mask[b, p] = 1 if p falls in any selected tag's range
    in_range = (pos[None, None, :] >= tag_starts[:, :, None]) & (pos[None, None, :] < tag_ends[:, :, None])
    attention_mask = jnp.any(in_range, axis=1).astype(jnp.int32)  # [B, L]
    # embed_list in 'full' scheme is the full (MLP'd) embedding per sample
    embed = jnp.broadcast_to(emb[None, :, :], (tags.shape[0], L, emb.shape[1]))  # [B, L, D]
    return embed, attention_mask

if __name__ == "__main__":
    import jax
    _d = setup_inputs()
    print(jax.jit(kernel)(*tuple(_d.values())))

</pallas_src>

<mosaic_0001>
#map = affine_map<(d0, d1) -> (0)>
module attributes {stable_mosaic.version = 14 : i64} {
  func.func @_sc_mask(%arg0: i32, %arg1: i32, %arg2: memref<64xi32, #tpu.memory_space<hbm>>, %arg3: memref<32768xi32, #tpu.memory_space<hbm>>, %arg4: memref<80xi32, #tpu.memory_space<vmem>>, %arg5: memref<2048xi32, #tpu.memory_space<vmem>>) attributes {dimension_semantics = [#tpu.dimension_semantics<core_parallel>, #tpu.dimension_semantics<subcore_parallel>], iteration_bounds = array<i64: 1, 16>, scalar_prefetch = 0 : i64, scratch_operands = 2 : i64, tpu.core_type = #tpu.core_type<sc_vector_subcore>, window_params = [{transform_indices = #map}, {transform_indices = #map}]} {
    %jit3A = arith.constant 2 : i32
    %div3A = arith.divsi %arg1, %jit3A : i32
    %sign3A = arith.constant 0 : i32
    %sign3A_0 = arith.cmpi sgt, %arg1, %sign3A : i32
    %sign3A_1 = arith.extui %sign3A_0 : i1 to i32
    %sign3A_2 = arith.constant 0 : i32
    %sign3A_3 = arith.cmpi slt, %arg1, %sign3A_2 : i32
    %sign3A_4 = arith.extui %sign3A_3 : i1 to i32
    %sign3A_5 = arith.subi %sign3A_1, %sign3A_4 : i32
    %sign3A_6 = arith.constant 0 : i32
    %sign3A_7 = arith.cmpi sgt, %jit3A, %sign3A_6 : i32
    %sign3A_8 = arith.extui %sign3A_7 : i1 to i32
    %sign3A_9 = arith.constant 0 : i32
    %sign3A_10 = arith.cmpi slt, %jit3A, %sign3A_9 : i32
    %sign3A_11 = arith.extui %sign3A_10 : i1 to i32
    %sign3A_12 = arith.subi %sign3A_8, %sign3A_11 : i32
    %ne3A = arith.cmpi ne, %sign3A_5, %sign3A_12 : i32
    %rem3A = arith.remsi %arg1, %jit3A : i32
    %ne3A_13 = arith.constant 0 : i32
    %ne3A_14 = arith.cmpi ne, %rem3A, %ne3A_13 : i32
    %and3A = arith.andi %ne3A, %ne3A_14 : i1
    %sub3A = arith.constant 1 : i32
    %sub3A_15 = arith.subi %div3A, %sub3A : i32
    %select_n3A = arith.select %and3A, %sub3A_15, %div3A : i32
    %jit3A_16 = arith.constant 2 : i32
    %eq3A = arith.constant 0 : i32
    %eq3A_17 = arith.cmpi eq, %jit3A_16, %eq3A : i32
    %jit3A_18 = arith.constant 1 : i32
    %select_n3A_19 = arith.select %eq3A_17, %jit3A_18, %jit3A_16 : i32
    %rem3A_20 = arith.remsi %arg1, %select_n3A_19 : i32
    %ne3A_21 = arith.constant 0 : i32
    %ne3A_22 = arith.cmpi ne, %rem3A_20, %ne3A_21 : i32
    %lt3A = arith.constant 0 : i32
    %lt3A_23 = arith.cmpi slt, %rem3A_20, %lt3A : i32
    %lt3A_24 = arith.constant 0 : i32
    %lt3A_25 = arith.cmpi slt, %select_n3A_19, %lt3A_24 : i32
    %ne3A_26 = arith.xori %lt3A_23, %lt3A_25 : i1
    %and3A_27 = arith.andi %ne3A_26, %ne3A_22 : i1
    %add3A = arith.addi %rem3A_20, %select_n3A_19 : i32
    %select_n3A_28 = arith.select %and3A_27, %add3A, %rem3A_20 : i32
    "tpu.region"() ({
      %run_scoped3A = tpu.sem_alloc : memref<!tpu.dma_semaphore, #tpu.memory_space<semaphore_mem>>
      %dma_start3A = arith.constant 0 : i32
      %dma_start3A_1503 = tpu.memref_slice %arg4[%dma_start3A] : memref<80xi32, #tpu.memory_space<vmem>> -> memref<64xi32, #tpu.memory_space<vmem>>
      %dma_start3A_1504 = arith.constant 0 : i32
      %dma_start3A_1505 = tpu.memref_slice %arg4[%dma_start3A_1504] : memref<80xi32, #tpu.memory_space<vmem>> -> memref<64xi32, #tpu.memory_space<vmem>>
      tpu.enqueue_dma source(%arg2 : memref<64xi32, #tpu.memory_space<hbm>>) target(%dma_start3A_1505 : memref<64xi32, #tpu.memory_space<vmem>>) target_semaphore(%run_scoped3A : memref<!tpu.dma_semaphore, #tpu.memory_space<semaphore_mem>>)
      %dma_wait3A = arith.constant 0 : i32
      %dma_wait3A_1506 = tpu.memref_slice %arg4[%dma_wait3A] : memref<80xi32, #tpu.memory_space<vmem>> -> memref<64xi32, #tpu.memory_space<vmem>>
      %dma_wait3A_1507 = arith.constant 0 : i32
      %dma_wait3A_1508 = tpu.memref_slice %arg4[%dma_wait3A_1507] : memref<80xi32, #tpu.memory_space<vmem>> -> memref<64xi32, #tpu.memory_space<vmem>>
      tpu.wait_dma2 semaphore(%run_scoped3A : memref<!tpu.dma_semaphore, #tpu.memory_space<semaphore_mem>>) src(%arg2 : memref<64xi32, #tpu.memory_space<hbm>>) dst(%dma_wait3A_1508 : memref<64xi32, #tpu.memory_space<vmem>>)
      tpu.yield
    }) : () -> ()
    %mul3A = arith.constant 8 : i32
    %mul3A_29 = arith.muli %select_n3A, %mul3A : i32
    %get3A = arith.index_cast %mul3A_29 : i32 to index
    %get3A_30 = tpu.vector_load %arg4[%get3A] {strides = array<i32>} : memref<80xi32, #tpu.memory_space<vmem>>, vector<16xi32>,
    %get3A_31 = vector.shape_cast %get3A_30 : vector<16xi32> to vector<16xi32>
    %mul3A_32 = arith.constant 16 : i32
    %mul3A_33 = arith.muli %select_n3A_28, %mul3A_32 : i32
    %add3A_34 = arith.constant 0 : i32
    %add3A_35 = arith.addi %mul3A_33, %add3A_34 : i32
    %slice3A = vector.extract_strided_slice %get3A_31 {offsets = [0], sizes = [1], strides = [1]} : vector<16xi32> to vector<1xi32>
    %squeeze3A = vector.extract %slice3A[0] : i32 from vector<1xi32>
    %eq3A_36 = arith.cmpi eq, %squeeze3A, %add3A_35 : i32
    %jit3A_37 = arith.constant 1 : i32
    %jit3A_38 = arith.constant 0 : i32
    %select_n3A_39 = arith.select %eq3A_36, %jit3A_37, %jit3A_38 : i32
    %or3A = arith.constant 0 : i32
    %or3A_40 = arith.ori %or3A, %select_n3A_39 : i32
    %slice3A_41 = vector.extract_strided_slice %get3A_31 {offsets = [1], sizes = [1], strides = [1]} : vector<16xi32> to vector<1xi32>
    %squeeze3A_42 = vector.extract %slice3A_41[0] : i32 from vector<1xi32>
    %eq3A_43 = arith.cmpi eq, %squeeze3A_42, %add3A_35 : i32
    %jit3A_44 = arith.constant 1 : i32
    %jit3A_45 = arith.constant 0 : i32
    %select_n3A_46 = arith.select %eq3A_43, %jit3A_44, %jit3A_45 : i32
    %or3A_47 = arith.ori %or3A_40, %select_n3A_46 : i32
    %slice3A_48 = vector.extract_strided_slice %get3A_31 {offsets = [2], sizes = [1], strides = [1]} : vector<16xi32> to vector<1xi32>
    %squeeze3A_49 = vector.extract %slice3A_48[0] : i32 from vector<1xi32>
    %eq3A_50 = arith.cmpi eq, %squeeze3A_49, %add3A_35 : i32
    %jit3A_51 = arith.constant 1 : i32
    %jit3A_52 = arith.constant 0 : i32
    %select_n3A_53 = arith.select %eq3A_50, %jit3A_51, %jit3A_52 : i32
    %or3A_54 = arith.ori %or3A_47, %select_n3A_53 : i32
    %slice3A_55 = vector.extract_strided_slice %get3A_31 {offsets = [3], sizes = [1], strides = [1]} : vector<16xi32> to vector<1xi32>
    %squeeze3A_56 = vector.extract %slice3A_55[0] : i32 from vector<1xi32>
    %eq3A_57 = arith.cmpi eq, %squeeze3A_56, %add3A_35 : i32
    %jit3A_58 = arith.constant 1 : i32
    %jit3A_59 = arith.constant 0 : i32
    %select_n3A_60 = arith.select %eq3A_57, %jit3A_58, %jit3A_59 : i32
    %or3A_61 = arith.ori %or3A_54, %select_n3A_60 : i32
    %slice3A_62 = vector.extract_strided_slice %get3A_31 {offsets = [4], sizes = [1], strides = [1]} : vector<16xi32> to vector<1xi32>
    %squeeze3A_63 = vector.extract %slice3A_62[0] : i32 from vector<1xi32>
    %eq3A_64 = arith.cmpi eq, %squeeze3A_63, %add3A_35 : i32
    %jit3A_65 = arith.constant 1 : i32
    %jit3A_66 = arith.constant 0 : i32
    %select_n3A_67 = arith.select %eq3A_64, %jit3A_65, %jit3A_66 : i32
    %or3A_68 = arith.ori %or3A_61, %select_n3A_67 : i32
    %slice3A_69 = vector.extract_strided_slice %get3A_31 {offsets = [5], sizes = [1], strides = [1]} : vector<16xi32> to vector<1xi32>
    %squeeze3A_70 = vector.extract %slice3A_69[0] : i32 from vector<1xi32>
    %eq3A_71 = arith.cmpi eq, %squeeze3A_70, %add3A_35 : i32
    %jit3A_72 = arith.constant 1 : i32
    %jit3A_73 = arith.constant 0 : i32
    %select_n3A_74 = arith.select %eq3A_71, %jit3A_72, %jit3A_73 : i32
    %or3A_75 = arith.ori %or3A_68, %select_n3A_74 : i32
    %slice3A_76 = vector.extract_strided_slice %get3A_31 {offsets = [6], sizes = [1], strides = [1]} : vector<16xi32> to vector<1xi32>
    %squeeze3A_77 = vector.extract %slice3A_76[0] : i32 from vector<1xi32>
    %eq3A_78 = arith.cmpi eq, %squeeze3A_77, %add3A_35 : i32
    %jit3A_79 = arith.constant 1 : i32
    %jit3A_80 = arith.constant 0 : i32
    %select_n3A_81 = arith.select %eq3A_78, %jit3A_79, %jit3A_80 : i32
    %or3A_82 = arith.ori %or3A_75, %select_n3A_81 : i32
    %slice3A_83 = vector.extract_strided_slice %get3A_31 {offsets = [7], sizes = [1], strides = [1]} : vector<16xi32> to vector<1xi32>
    %squeeze3A_84 = vector.extract %slice3A_83[0] : i32 from vector<1xi32>
    %eq3A_85 = arith.cmpi eq, %squeeze3A_84, %add3A_35 : i32
    %jit3A_86 = arith.constant 1 : i32
    %jit3A_87 = arith.constant 0 : i32
    %select_n3A_88 = arith.select %eq3A_85, %jit3A_86, %jit3A_87 : i32
    %or3A_89 = arith.ori %or3A_82, %select_n3A_88 : i32
    %broadcast_in_dim3A = vector.broadcast %or3A_89 : i32 to vector<16xi32>
    %swap3A = arith.constant 0 : index
    %swap3A_90 = tpu.vector_load %arg5[%swap3A] {strides = array<i32>} : memref<2048xi32, #tpu.memory_space<vmem>>, vector<16xi32>,
    %swap3A_91 = vector.shape_cast %swap3A_90 : vector<16xi32> to vector<16xi32>
    %swap3A_92 = vector.shape_cast %broadcast_in_dim3A : vector<16xi32> to vector<16xi32>
    tpu.vector_store %arg5[%swap3A], %swap3A_92 {strides = array<i32>} : memref<2048xi32, #tpu.memory_space<vmem>>, vector<16xi32>,
    %swap3A_93 = arith.constant 16 : index
    %swap3A_94 = tpu.vector_load %arg5[%swap3A_93] {strides = array<i32>} : memref<2048xi32, #tpu.memory_space<vmem>>, vector<16xi32>,
    %swap3A_95 = vector.shape_cast %swap3A_94 : vector<16xi32> to vector<16xi32>
    %swap3A_96 = vector.shape_cast %broadcast_in_dim3A : vector<16xi32> to vector<16xi32>
    tpu.vector_store %arg5[%swap3A_93], %swap3A_96 {strides = array<i32>} : memref<2048xi32, #tpu.memory_space<vmem>>, vector<16xi32>,
    %swap3A_97 = arith.constant 32 : index
    %swap3A_98 = tpu.vector_load %arg5[%swap3A_97] {strides = array<i32>} : memref<2048xi32, #tpu.memory_space<vmem>>, vector<16xi32>,
    %swap3A_99 = vector.shape_cast %swap3A_98 : vector<16xi32> to vector<16xi32>
    %swap3A_100 = vector.shape_cast %broadcast_in_dim3A : vector<16xi32> to vector<16xi32>
    tpu.vector_store %arg5[%swap3A_97], %swap3A_100 {strides = array<i32>} : memref<2048xi32, #tpu.memory_space<vmem>>, vector<16xi32>,
    %swap3A_101 = arith.constant 48 : index
    %swap3A_102 = tpu.vector_load %arg5[%swap3A_101] {strides = array<i32>} : memref<2048xi32, #tpu.memory_space<vmem>>, vector<16xi32>,
    %swap3A_103 = vector.shape_cast %swap3A_102 : vector<16xi32> to vector<16xi32>
    %swap3A_104 = vector.shape_cast %broadcast_in_dim3A : vector<16xi32> to vector<16xi32>
    tpu.vector_store %arg5[%swap3A_101], %swap3A_104 {strides = array<i32>} : memref<2048xi32, #tpu.memory_space<vmem>>, vector<16xi32>,
    %swap3A_105 = arith.constant 64 : index
    %swap3A_106 = tpu.vector_load %arg5[%swap3A_105] {strides = array<i32>} : memref<2048xi32, #tpu.memory_space<vmem>>, vector<16xi32>,
    %swap3A_107 = vector.shape_cast %swap3A_106 : vector<16xi32> to vector<16xi32>
    %swap3A_108 = vector.shape_cast %broadcast_in_dim3A : vector<16xi32> to vector<16xi32>
    tpu.vector_store %arg5[%swap3A_105], %swap3A_108 {strides = array<i32>} : memref<2048xi32, #tpu.memory_space<vmem>>, vector<16xi32>,
    %swap3A_109 = arith.constant 80 : index
    %swap3A_110 = tpu.vector_load %arg5[%swap3A_109] {strides = array<i32>} : memref<2048xi32, #tpu.memory_space<vmem>>, vector<16xi32>,
    %swap3A_111 = vector.shape_cast %swap3A_110 : vector<16xi32> to vector<16xi32>
    %swap3A_112 = vector.shape_cast %broadcast_in_dim3A : vector<16xi32> to vector<16xi32>
    tpu.vector_store %arg5[%swap3A_109], %swap3A_112 {strides = array<i32>} : memref<2048xi32, #tpu.memory_space<vmem>>, vector<16xi32>,
    %swap3A_113 = arith.constant 96 : index
    %swap3A_114 = tpu.vector_load %arg5[%swap3A_113] {strides = array<i32>} : memref<2048xi32, #tpu.memory_space<vmem>>, vector<16xi32>,
    %swap3A_115 = vector.shape_cast %swap3A_114 : vector<16xi32> to vector<16xi32>
    %swap3A_116 = vector.shape_cast %broadcast_in_dim3A : vector<16xi32> to vector<16xi32>
    tpu.vector_store %arg5[%swap3A_113], %swap3A_116 {strides = array<i32>} : memref<2048xi32, #tpu.memory_space<vmem>>, vector<16xi32>,
    %swap3A_117 = arith.constant 112 : index
    %swap3A_118 = tpu.vector_load %arg5[%swap3A_117] {strides = array<i32>} : memref<2048xi32, #tpu.memory_space<vmem>>, vector<16xi32>,
    %swap3A_119 = vector.shape_cast %swap3A_118 : vector<16xi32> to vector<16xi32>
    %swap3A_120 = vector.shape_cast %broadcast_in_dim3A : vector<16xi32> to vector<16xi32>
    tpu.vector_store %arg5[%swap3A_117], %swap3A_120 {strides = array<i32>} : memref<2048xi32, #tpu.memory_space<vmem>>, vector<16xi32>,
    %add3A_121 = arith.constant 1 : i32
    %add3A_122 = arith.addi %mul3A_33, %add3A_121 : i32
    %slice3A_123 = vector.extract_strided_slice %get3A_31 {offsets = [0], sizes = [1], strides = [1]} : vector<16xi32> to vector<1xi32>
    %squeeze3A_124 = vector.extract %slice3A_123[0] : i32 from vector<1xi32>
    %eq3A_125 = arith.cmpi eq, %squeeze3A_124, %add3A_122 : i32
    %jit3A_126 = arith.constant 1 : i32
    %jit3A_127 = arith.constant 0 : i32
    %select_n3A_128 = arith.select %eq3A_125, %jit3A_126, %jit3A_127 : i32
    %or3A_129 = arith.constant 0 : i32
    %or3A_130 = arith.ori %or3A_129, %select_n3A_128 : i32
    %slice3A_131 = vector.extract_strided_slice %get3A_31 {offsets = [1], sizes = [1], strides = [1]} : vector<16xi32> to vector<1xi32>
    %squeeze3A_132 = vector.extract %slice3A_131[0] : i32 from vector<1xi32>
    %eq3A_133 = arith.cmpi eq, %squeeze3A_132, %add3A_122 : i32
    %jit3A_134 = arith.constant 1 : i32
    %jit3A_135 = arith.constant 0 : i32
    %select_n3A_136 = arith.select %eq3A_133, %jit3A_134, %jit3A_135 : i32
    %or3A_137 = arith.ori %or3A_130, %select_n3A_136 : i32
    %slice3A_138 = vector.extract_strided_slice %get3A_31 {offsets = [2], sizes = [1], strides = [1]} : vector<16xi32> to vector<1xi32>
    %squeeze3A_139 = vector.extract %slice3A_138[0] : i32 from vector<1xi32>
    %eq3A_140 = arith.cmpi eq, %squeeze3A_139, %add3A_122 : i32
    %jit3A_141 = arith.constant 1 : i32
    %jit3A_142 = arith.constant 0 : i32
    %select_n3A_143 = arith.select %eq3A_140, %jit3A_141, %jit3A_142 : i32
    %or3A_144 = arith.ori %or3A_137, %select_n3A_143 : i32
    %slice3A_145 = vector.extract_strided_slice %get3A_31 {offsets = [3], sizes = [1], strides = [1]} : vector<16xi32> to vector<1xi32>
    %squeeze3A_146 = vector.extract %slice3A_145[0] : i32 from vector<1xi32>
    %eq3A_147 = arith.cmpi eq, %squeeze3A_146, %add3A_122 : i32
    %jit3A_148 = arith.constant 1 : i32
    %jit3A_149 = arith.constant 0 : i32
    %select_n3A_150 = arith.select %eq3A_147, %jit3A_148, %jit3A_149 : i32
    %or3A_151 = arith.ori %or3A_144, %select_n3A_150 : i32
    %slice3A_152 = vector.extract_strided_slice %get3A_31 {offsets = [4], sizes = [1], strides = [1]} : vector<16xi32> to vector<1xi32>
    %squeeze3A_153 = vector.extract %slice3A_152[0] : i32 from vector<1xi32>
    %eq3A_154 = arith.cmpi eq, %squeeze3A_153, %add3A_122 : i32
    %jit3A_155 = arith.constant 1 : i32
    %jit3A_156 = arith.constant 0 : i32
    %select_n3A_157 = arith.select %eq3A_154, %jit3A_155, %jit3A_156 : i32
    %or3A_158 = arith.ori %or3A_151, %select_n3A_157 : i32
    %slice3A_159 = vector.extract_strided_slice %get3A_31 {offsets = [5], sizes = [1], strides = [1]} : vector<16xi32> to vector<1xi32>
    %squeeze3A_160 = vector.extract %slice3A_159[0] : i32 from vector<1xi32>
    %eq3A_161 = arith.cmpi eq, %squeeze3A_160, %add3A_122 : i32
    %jit3A_162 = arith.constant 1 : i32
    %jit3A_163 = arith.constant 0 : i32
    %select_n3A_164 = arith.select %eq3A_161, %jit3A_162, %jit3A_163 : i32
    %or3A_165 = arith.ori %or3A_158, %select_n3A_164 : i32
    %slice3A_166 = vector.extract_strided_slice %get3A_31 {offsets = [6], sizes = [1], strides = [1]} : vector<16xi32> to vector<1xi32>
    %squeeze3A_167 = vector.extract %slice3A_166[0] : i32 from vector<1xi32>
    %eq3A_168 = arith.cmpi eq, %squeeze3A_167, %add3A_122 : i32
    %jit3A_169 = arith.constant 1 : i32
    %jit3A_170 = arith.constant 0 : i32
    %select_n3A_171 = arith.select %eq3A_168, %jit3A_169, %jit3A_170 : i32
    %or3A_172 = arith.ori %or3A_165, %select_n3A_171 : i32
    %slice3A_173 = vector.extract_strided_slice %get3A_31 {offsets = [7], sizes = [1], strides = [1]} : vector<16xi32> to vector<1xi32>
    %squeeze3A_174 = vector.extract %slice3A_173[0] : i32 from vector<1xi32>
    %eq3A_175 = arith.cmpi eq, %squeeze3A_174, %add3A_122 : i32
    %jit3A_176 = arith.constant 1 : i32
    %jit3A_177 = arith.constant 0 : i32
    %select_n3A_178 = arith.select %eq3A_175, %jit3A_176, %jit3A_177 : i32
    %or3A_179 = arith.ori %or3A_172, %select_n3A_178 : i32
    %broadcast_in_dim3A_180 = vector.broadcast %or3A_179 : i32 to vector<16xi32>
    %swap3A_181 = arith.constant 128 : index
    %swap3A_182 = tpu.vector_load %arg5[%swap3A_181] {strides = array<i32>} : memref<2048xi32, #tpu.memory_space<vmem>>, vector<16xi32>,
    %swap3A_183 = vector.shape_cast %swap3A_182 : vector<16xi32> to vector<16xi32>
    %swap3A_184 = vector.shape_cast %broadcast_in_dim3A_180 : vector<16xi32> to vector<16xi32>
    tpu.vector_store %arg5[%swap3A_181], %swap3A_184 {strides = array<i32>} : memref<2048xi32, #tpu.memory_space<vmem>>, vector<16xi32>,
    %swap3A_185 = arith.constant 144 : index
    %swap3A_186 = tpu.vector_load %arg5[%swap3A_185] {strides = array<i32>} : memref<2048xi32, #tpu.memory_space<vmem>>, vector<16xi32>,
    %swap3A_187 = vector.shape_cast %swap3A_186 : vector<16xi32> to vector<16xi32>
    %swap3A_188 = vector.shape_cast %broadcast_in_dim3A_180 : vector<16xi32> to vector<16xi32>
    tpu.vector_store %arg5[%swap3A_185], %swap3A_188 {strides = array<i32>} : memref<2048xi32, #tpu.memory_space<vmem>>, vector<16xi32>,
    %swap3A_189 = arith.constant 160 : index
    %swap3A_190 = tpu.vector_load %arg5[%swap3A_189] {strides = array<i32>} : memref<2048xi32, #tpu.memory_space<vmem>>, vector<16xi32>,
    %swap3A_191 = vector.shape_cast %swap3A_190 : vector<16xi32> to vector<16xi32>
    %swap3A_192 = vector.shape_cast %broadcast_in_dim3A_180 : vector<16xi32> to vector<16xi32>
    tpu.vector_store %arg5[%swap3A_189], %swap3A_192 {strides = array<i32>} : memref<2048xi32, #tpu.memory_space<vmem>>, vector<16xi32>,
    %swap3A_193 = arith.constant 176 : index
    %swap3A_194 = tpu.vector_load %arg5[%swap3A_193] {strides = array<i32>} : memref<2048xi32, #tpu.memory_space<vmem>>, vector<16xi32>,
    %swap3A_195 = vector.shape_cast %swap3A_194 : vector<16xi32> to vector<16xi32>
    %swap3A_196 = vector.shape_cast %broadcast_in_dim3A_180 : vector<16xi32> to vector<16xi32>
    tpu.vector_store %arg5[%swap3A_193], %swap3A_196 {strides = array<i32>} : memref<2048xi32, #tpu.memory_space<vmem>>, vector<16xi32>,
    %swap3A_197 = arith.constant 192 : index
    %swap3A_198 = tpu.vector_load %arg5[%swap3A_197] {strides = array<i32>} : memref<2048xi32, #tpu.memory_space<vmem>>, vector<16xi32>,
    %swap3A_199 = vector.shape_cast %swap3A_198 : vector<16xi32> to vector<16xi32>
    %swap3A_200 = vector.shape_cast %broadcast_in_dim3A_180 : vector<16xi32> to vector<16xi32>
    tpu.vector_store %arg5[%swap3A_197], %swap3A_200 {strides = array<i32>} : memref<2048xi32, #tpu.memory_space<vmem>>, vector<16xi32>,
    %swap3A_201 = arith.constant 208 : index
    %swap3A_202 = tpu.vector_load %arg5[%swap3A_201] {strides = array<i32>} : memref<2048xi32, #tpu.memory_space<vmem>>, vector<16xi32>,
    %swap3A_203 = vector.shape_cast %swap3A_202 : vector<16xi32> to vector<16xi32>
    %swap3A_204 = vector.shape_cast %broadcast_in_dim3A_180 : vector<16xi32> to vector<16xi32>
    tpu.vector_store %arg5[%swap3A_201], %swap3A_204 {strides = array<i32>} : memref<2048xi32, #tpu.memory_space<vmem>>, vector<16xi32>,
    %swap3A_205 = arith.constant 224 : index
    %swap3A_206 = tpu.vector_load %arg5[%swap3A_205] {strides = array<i32>} : memref<2048xi32, #tpu.memory_space<vmem>>, vector<16xi32>,
    %swap3A_207 = vector.shape_cast %swap3A_206 : vector<16xi32> to vector<16xi32>
    %swap3A_208 = vector.shape_cast %broadcast_in_dim3A_180 : vector<16xi32> to vector<16xi32>
    tpu.vector_store %arg5[%swap3A_205], %swap3A_208 {strides = array<i32>} : memref<2048xi32, #tpu.memory_space<vmem>>, vector<16xi32>,
    %swap3A_209 = arith.constant 240 : index
    %swap3A_210 = tpu.vector_load %arg5[%swap3A_209] {strides = array<i32>} : memref<2048xi32, #tpu.memory_space<vmem>>, vector<16xi32>,
    %swap3A_211 = vector.shape_cast %swap3A_210 : vector<16xi32> to vector<16xi32>
    %swap3A_212 = vector.shape_cast %broadcast_in_dim3A_180 : vector<16xi32> to vector<16xi32>
    tpu.vector_store %arg5[%swap3A_209], %swap3A_212 {strides = array<i32>} : memref<2048xi32, #tpu.memory_space<vmem>>, vector<16xi32>,
    %add3A_213 = arith.constant 2 : i32
    %add3A_214 = arith.addi %mul3A_33, %add3A_213 : i32
    %slice3A_215 = vector.extract_strided_slice %get3A_31 {offsets = [0], sizes = [1], strides = [1]} : vector<16xi32> to vector<1xi32>
    %squeeze3A_216 = vector.extract %slice3A_215[0] : i32 from vector<1xi32>
    %eq3A_217 = arith.cmpi eq, %squeeze3A_216, %add3A_214 : i32
    %jit3A_218 = arith.constant 1 : i32
    %jit3A_219 = arith.constant 0 : i32
    %select_n3A_220 = arith.select %eq3A_217, %jit3A_218, %jit3A_219 : i32
    %or3A_221 = arith.constant 0 : i32
    %or3A_222 = arith.ori %or3A_221, %select_n3A_220 : i32
    %slice3A_223 = vector.extract_strided_slice %get3A_31 {offsets = [1], sizes = [1], strides = [1]} : vector<16xi32> to vector<1xi32>
    %squeeze3A_224 = vector.extract %slice3A_223[0] : i32 from vector<1xi32>
    %eq3A_225 = arith.cmpi eq, %squeeze3A_224, %add3A_214 : i32
    %jit3A_226 = arith.constant 1 : i32
    %jit3A_227 = arith.constant 0 : i32
    %select_n3A_228 = arith.select %eq3A_225, %jit3A_226, %jit3A_227 : i32
    %or3A_229 = arith.ori %or3A_222, %select_n3A_228 : i32
    %slice3A_230 = vector.extract_strided_slice %get3A_31 {offsets = [2], sizes = [1], strides = [1]} : vector<16xi32> to vector<1xi32>
    %squeeze3A_231 = vector.extract %slice3A_230[0] : i32 from vector<1xi32>
    %eq3A_232 = arith.cmpi eq, %squeeze3A_231, %add3A_214 : i32
    %jit3A_233 = arith.constant 1 : i32
    %jit3A_234 = arith.constant 0 : i32
    %select_n3A_235 = arith.select %eq3A_232, %jit3A_233, %jit3A_234 : i32
    %or3A_236 = arith.ori %or3A_229, %select_n3A_235 : i32
    %slice3A_237 = vector.extract_strided_slice %get3A_31 {offsets = [3], sizes = [1], strides = [1]} : vector<16xi32> to vector<1xi32>
    %squeeze3A_238 = vector.extract %slice3A_237[0] : i32 from vector<1xi32>
    %eq3A_239 = arith.cmpi eq, %squeeze3A_238, %add3A_214 : i32
    %jit3A_240 = arith.constant 1 : i32
    %jit3A_241 = arith.constant 0 : i32
    %select_n3A_242 = arith.select %eq3A_239, %jit3A_240, %jit3A_241 : i32
    %or3A_243 = arith.ori %or3A_236, %select_n3A_242 : i32
    %slice3A_244 = vector.extract_strided_slice %get3A_31 {offsets = [4], sizes = [1], strides = [1]} : vector<16xi32> to vector<1xi32>
    %squeeze3A_245 = vector.extract %slice3A_244[0] : i32 from vector<1xi32>
    %eq3A_246 = arith.cmpi eq, %squeeze3A_245, %add3A_214 : i32
    %jit3A_247 = arith.constant 1 : i32
    %jit3A_248 = arith.constant 0 : i32
    %select_n3A_249 = arith.select %eq3A_246, %jit3A_247, %jit3A_248 : i32
    %or3A_250 = arith.ori %or3A_243, %select_n3A_249 : i32
    %slice3A_251 = vector.extract_strided_slice %get3A_31 {offsets = [5], sizes = [1], strides = [1]} : vector<16xi32> to vector<1xi32>
    %squeeze3A_252 = vector.extract %slice3A_251[0] : i32 from vector<1xi32>
    %eq3A_253 = arith.cmpi eq, %squeeze3A_252, %add3A_214 : i32
    %jit3A_254 = arith.constant 1 : i32
    %jit3A_255 = arith.constant 0 : i32
    %select_n3A_256 = arith.select %eq3A_253, %jit3A_254, %jit3A_255 : i32
    %or3A_257 = arith.ori %or3A_250, %select_n3A_256 : i32
    %slice3A_258 = vector.extract_strided_slice %get3A_31 {offsets = [6], sizes = [1], strides = [1]} : vector<16xi32> to vector<1xi32>
    %squeeze3A_259 = vector.extract %slice3A_258[0] : i32 from vector<1xi32>
    %eq3A_260 = arith.cmpi eq, %squeeze3A_259, %add3A_214 : i32
    %jit3A_261 = arith.constant 1 : i32
    %jit3A_262 = arith.constant 0 : i32
    %select_n3A_263 = arith.select %eq3A_260, %jit3A_261, %jit3A_262 : i32
    %or3A_264 = arith.ori %or3A_257, %select_n3A_263 : i32
    %slice3A_265 = vector.extract_strided_slice %get3A_31 {offsets = [7], sizes = [1], strides = [1]} : vector<16xi32> to vector<1xi32>
    %squeeze3A_266 = vector.extract %slice3A_265[0] : i32 from vector<1xi32>
    %eq3A_267 = arith.cmpi eq, %squeeze3A_266, %add3A_214 : i32
    %jit3A_268 = arith.constant 1 : i32
    %jit3A_269 = arith.constant 0 : i32
    %select_n3A_270 = arith.select %eq3A_267, %jit3A_268, %jit3A_269 : i32
    %or3A_271 = arith.ori %or3A_264, %select_n3A_270 : i32
    %broadcast_in_dim3A_272 = vector.broadcast %or3A_271 : i32 to vector<16xi32>
    %swap3A_273 = arith.constant 256 : index
    %swap3A_274 = tpu.vector_load %arg5[%swap3A_273] {strides = array<i32>} : memref<2048xi32, #tpu.memory_space<vmem>>, vector<16xi32>,
    %swap3A_275 = vector.shape_cast %swap3A_274 : vector<16xi32> to vector<16xi32>
    %swap3A_276 = vector.shape_cast %broadcast_in_dim3A_272 : vector<16xi32> to vector<16xi32>
    tpu.vector_store %arg5[%swap3A_273], %swap3A_276 {strides = array<i32>} : memref<2048xi32, #tpu.memory_space<vmem>>, vector<16xi32>,
    %swap3A_277 = arith.constant 272 : index
    %swap3A_278 = tpu.vector_load %arg5[%swap3A_277] {strides = array<i32>} : memref<2048xi32, #tpu.memory_space<vmem>>, vector<16xi32>,
    %swap3A_279 = vector.shape_cast %swap3A_278 : vector<16xi32> to vector<16xi32>
    %swap3A_280 = vector.shape_cast %broadcast_in_dim3A_272 : vector<16xi32> to vector<16xi32>
    tpu.vector_store %arg5[%swap3A_277], %swap3A_280 {strides = array<i32>} : memref<2048xi32, #tpu.memory_space<vmem>>, vector<16xi32>,
    %swap3A_281 = arith.constant 288 : index
    %swap3A_282 = tpu.vector_load %arg5[%swap3A_281] {strides = array<i32>} : memref<2048xi32, #tpu.memory_space<vmem>>, vector<16xi32>,
    %swap3A_283 = vector.shape_cast %swap3A_282 : vector<16xi32> to vector<16xi32>
    %swap3A_284 = vector.shape_cast %broadcast_in_dim3A_272 : vector<16xi32> to vector<16xi32>
    tpu.vector_store %arg5[%swap3A_281], %swap3A_284 {strides = array<i32>} : memref<2048xi32, #tpu.memory_space<vmem>>, vector<16xi32>,
    %swap3A_285 = arith.constant 304 : index
    %swap3A_286 = tpu.vector_load %arg5[%swap3A_285] {strides = array<i32>} : memref<2048xi32, #tpu.memory_space<vmem>>, vector<16xi32>,
    %swap3A_287 = vector.shape_cast %swap3A_286 : vector<16xi32> to vector<16xi32>
    %swap3A_288 = vector.shape_cast %broadcast_in_dim3A_272 : vector<16xi32> to vector<16xi32>
    tpu.vector_store %arg5[%swap3A_285], %swap3A_288 {strides = array<i32>} : memref<2048xi32, #tpu.memory_space<vmem>>, vector<16xi32>,
    %swap3A_289 = arith.constant 320 : index
    %swap3A_290 = tpu.vector_load %arg5[%swap3A_289] {strides = array<i32>} : memref<2048xi32, #tpu.memory_space<vmem>>, vector<16xi32>,
    %swap3A_291 = vector.shape_cast %swap3A_290 : vector<16xi32> to vector<16xi32>
    %swap3A_292 = vector.shape_cast %broadcast_in_dim3A_272 : vector<16xi32> to vector<16xi32>
    tpu.vector_store %arg5[%swap3A_289], %swap3A_292 {strides = array<i32>} : memref<2048xi32, #tpu.memory_space<vmem>>, vector<16xi32>,
    %swap3A_293 = arith.constant 336 : index
    %swap3A_294 = tpu.vector_load %arg5[%swap3A_293] {strides = array<i32>} : memref<2048xi32, #tpu.memory_space<vmem>>, vector<16xi32>,
    %swap3A_295 = vector.shape_cast %swap3A_294 : vector<16xi32> to vector<16xi32>
    %swap3A_296 = vector.shape_cast %broadcast_in_dim3A_272 : vector<16xi32> to vector<16xi32>
    tpu.vector_store %arg5[%swap3A_293], %swap3A_296 {strides = array<i32>} : memref<2048xi32, #tpu.memory_space<vmem>>, vector<16xi32>,
    %swap3A_297 = arith.constant 352 : index
    %swap3A_298 = tpu.vector_load %arg5[%swap3A_297] {strides = array<i32>} : memref<2048xi32, #tpu.memory_space<vmem>>, vector<16xi32>,
    %swap3A_299 = vector.shape_cast %swap3A_298 : vector<16xi32> to vector<16xi32>
    %swap3A_300 = vector.shape_cast %broadcast_in_dim3A_272 : vector<16xi32> to vector<16xi32>
    tpu.vector_store %arg5[%swap3A_297], %swap3A_300 {strides = array<i32>} : memref<2048xi32, #tpu.memory_space<vmem>>, vector<16xi32>,
    %swap3A_301 = arith.constant 368 : index
    %swap3A_302 = tpu.vector_load %arg5[%swap3A_301] {strides = array<i32>} : memref<2048xi32, #tpu.memory_space<vmem>>, vector<16xi32>,
    %swap3A_303 = vector.shape_cast %swap3A_302 : vector<16xi32> to vector<16xi32>
    %swap3A_304 = vector.shape_cast %broadcast_in_dim3A_272 : vector<16xi32> to vector<16xi32>
    tpu.vector_store %arg5[%swap3A_301], %swap3A_304 {strides = array<i32>} : memref<2048xi32, #tpu.memory_space<vmem>>, vector<16xi32>,
    %add3A_305 = arith.constant 3 : i32
    %add3A_306 = arith.addi %mul3A_33, %add3A_305 : i32
    %slice3A_307 = vector.extract_strided_slice %get3A_31 {offsets = [0], sizes = [1], strides = [1]} : vector<16xi32> to vector<1xi32>
    %squeeze3A_308 = vector.extract %slice3A_307[0] : i32 from vector<1xi32>
    %eq3A_309 = arith.cmpi eq, %squeeze3A_308, %add3A_306 : i32
    %jit3A_310 = arith.constant 1 : i32
    %jit3A_311 = arith.constant 0 : i32
    %select_n3A_312 = arith.select %eq3A_309, %jit3A_310, %jit3A_311 : i32
    %or3A_313 = arith.constant 0 : i32
    %or3A_314 = arith.ori %or3A_313, %select_n3A_312 : i32
    %slice3A_315 = vector.extract_strided_slice %get3A_31 {offsets = [1], sizes = [1], strides = [1]} : vector<16xi32> to vector<1xi32>
    %squeeze3A_316 = vector.extract %slice3A_315[0] : i32 from vector<1xi32>
    %eq3A_317 = arith.cmpi eq, %squeeze3A_316, %add3A_306 : i32
    %jit3A_318 = arith.constant 1 : i32
    %jit3A_319 = arith.constant 0 : i32
    %select_n3A_320 = arith.select %eq3A_317, %jit3A_318, %jit3A_319 : i32
    %or3A_321 = arith.ori %or3A_314, %select_n3A_320 : i32
    %slice3A_322 = vector.extract_strided_slice %get3A_31 {offsets = [2], sizes = [1], strides = [1]} : vector<16xi32> to vector<1xi32>
    %squeeze3A_323 = vector.extract %slice3A_322[0] : i32 from vector<1xi32>
    %eq3A_324 = arith.cmpi eq, %squeeze3A_323, %add3A_306 : i32
    %jit3A_325 = arith.constant 1 : i32
    %jit3A_326 = arith.constant 0 : i32
    %select_n3A_327 = arith.select %eq3A_324, %jit3A_325, %jit3A_326 : i32
    %or3A_328 = arith.ori %or3A_321, %select_n3A_327 : i32
    %slice3A_329 = vector.extract_strided_slice %get3A_31 {offsets = [3], sizes = [1], strides = [1]} : vector<16xi32> to vector<1xi32>
    %squeeze3A_330 = vector.extract %slice3A_329[0] : i32 from vector<1xi32>
    %eq3A_331 = arith.cmpi eq, %squeeze3A_330, %add3A_306 : i32
    %jit3A_332 = arith.constant 1 : i32
    %jit3A_333 = arith.constant 0 : i32
    %select_n3A_334 = arith.select %eq3A_331, %jit3A_332, %jit3A_333 : i32
    %or3A_335 = arith.ori %or3A_328, %select_n3A_334 : i32
    %slice3A_336 = vector.extract_strided_slice %get3A_31 {offsets = [4], sizes = [1], strides = [1]} : vector<16xi32> to vector<1xi32>
    %squeeze3A_337 = vector.extract %slice3A_336[0] : i32 from vector<1xi32>
    %eq3A_338 = arith.cmpi eq, %squeeze3A_337, %add3A_306 : i32
    %jit3A_339 = arith.constant 1 : i32
    %jit3A_340 = arith.constant 0 : i32
    %select_n3A_341 = arith.select %eq3A_338, %jit3A_339, %jit3A_340 : i32
    %or3A_342 = arith.ori %or3A_335, %select_n3A_341 : i32
    %slice3A_343 = vector.extract_strided_slice %get3A_31 {offsets = [5], sizes = [1], strides = [1]} : vector<16xi32> to vector<1xi32>
    %squeeze3A_344 = vector.extract %slice3A_343[0] : i32 from vector<1xi32>
    %eq3A_345 = arith.cmpi eq, %squeeze3A_344, %add3A_306 : i32
    %jit3A_346 = arith.constant 1 : i32
    %jit3A_347 = arith.constant 0 : i32
    %select_n3A_348 = arith.select %eq3A_345, %jit3A_346, %jit3A_347 : i32
    %or3A_349 = arith.ori %or3A_342, %select_n3A_348 : i32
    %slice3A_350 = vector.extract_strided_slice %get3A_31 {offsets = [6], sizes = [1], strides = [1]} : vector<16xi32> to vector<1xi32>
    %squeeze3A_351 = vector.extract %slice3A_350[0] : i32 from vector<1xi32>
    %eq3A_352 = arith.cmpi eq, %squeeze3A_351, %add3A_306 : i32
    %jit3A_353 = arith.constant 1 : i32
    %jit3A_354 = arith.constant 0 : i32
    %select_n3A_355 = arith.select %eq3A_352, %jit3A_353, %jit3A_354 : i32
    %or3A_356 = arith.ori %or3A_349, %select_n3A_355 : i32
    %slice3A_357 = vector.extract_strided_slice %get3A_31 {offsets = [7], sizes = [1], strides = [1]} : vector<16xi32> to vector<1xi32>
    %squeeze3A_358 = vector.extract %slice3A_357[0] : i32 from vector<1xi32>
    %eq3A_359 = arith.cmpi eq, %squeeze3A_358, %add3A_306 : i32
    %jit3A_360 = arith.constant 1 : i32
    %jit3A_361 = arith.constant 0 : i32
    %select_n3A_362 = arith.select %eq3A_359, %jit3A_360, %jit3A_361 : i32
    %or3A_363 = arith.ori %or3A_356, %select_n3A_362 : i32
    %broadcast_in_dim3A_364 = vector.broadcast %or3A_363 : i32 to vector<16xi32>
    %swap3A_365 = arith.constant 384 : index
    %swap3A_366 = tpu.vector_load %arg5[%swap3A_365] {strides = array<i32>} : memref<2048xi32, #tpu.memory_space<vmem>>, vector<16xi32>,
    %swap3A_367 = vector.shape_cast %swap3A_366 : vector<16xi32> to vector<16xi32>
    %swap3A_368 = vector.shape_cast %broadcast_in_dim3A_364 : vector<16xi32> to vector<16xi32>
    tpu.vector_store %arg5[%swap3A_365], %swap3A_368 {strides = array<i32>} : memref<2048xi32, #tpu.memory_space<vmem>>, vector<16xi32>,
    %swap3A_369 = arith.constant 400 : index
    %swap3A_370 = tpu.vector_load %arg5[%swap3A_369] {strides = array<i32>} : memref<2048xi32, #tpu.memory_space<vmem>>, vector<16xi32>,
    %swap3A_371 = vector.shape_cast %swap3A_370 : vector<16xi32> to vector<16xi32>
    %swap3A_372 = vector.shape_cast %broadcast_in_dim3A_364 : vector<16xi32> to vector<16xi32>
    tpu.vector_store %arg5[%swap3A_369], %swap3A_372 {strides = array<i32>} : memref<2048xi32, #tpu.memory_space<vmem>>, vector<16xi32>,
    %swap3A_373 = arith.constant 416 : index
    %swap3A_374 = tpu.vector_load %arg5[%swap3A_373] {strides = array<i32>} : memref<2048xi32, #tpu.memory_space<vmem>>, vector<16xi32>,
    %swap3A_375 = vector.shape_cast %swap3A_374 : vector<16xi32> to vector<16xi32>
    %swap3A_376 = vector.shape_cast %broadcast_in_dim3A_364 : vector<16xi32> to vector<16xi32>
    tpu.vector_store %arg5[%swap3A_373], %swap3A_376 {strides = array<i32>} : memref<2048xi32, #tpu.memory_space<vmem>>, vector<16xi32>,
    %swap3A_377 = arith.constant 432 : index
    %swap3A_378 = tpu.vector_load %arg5[%swap3A_377] {strides = array<i32>} : memref<2048xi32, #tpu.memory_space<vmem>>, vector<16xi32>,
    %swap3A_379 = vector.shape_cast %swap3A_378 : vector<16xi32> to vector<16xi32>
    %swap3A_380 = vector.shape_cast %broadcast_in_dim3A_364 : vector<16xi32> to vector<16xi32>
    tpu.vector_store %arg5[%swap3A_377], %swap3A_380 {strides = array<i32>} : memref<2048xi32, #tpu.memory_space<vmem>>, vector<16xi32>,
    %swap3A_381 = arith.constant 448 : index
    %swap3A_382 = tpu.vector_load %arg5[%swap3A_381] {strides = array<i32>} : memref<2048xi32, #tpu.memory_space<vmem>>, vector<16xi32>,
    %swap3A_383 = vector.shape_cast %swap3A_382 : vector<16xi32> to vector<16xi32>
    %swap3A_384 = vector.shape_cast %broadcast_in_dim3A_364 : vector<16xi32> to vector<16xi32>
    tpu.vector_store %arg5[%swap3A_381], %swap3A_384 {strides = array<i32>} : memref<2048xi32, #tpu.memory_space<vmem>>, vector<16xi32>,
    %swap3A_385 = arith.constant 464 : index
    %swap3A_386 = tpu.vector_load %arg5[%swap3A_385] {strides = array<i32>} : memref<2048xi32, #tpu.memory_space<vmem>>, vector<16xi32>,
    %swap3A_387 = vector.shape_cast %swap3A_386 : vector<16xi32> to vector<16xi32>
    %swap3A_388 = vector.shape_cast %broadcast_in_dim3A_364 : vector<16xi32> to vector<16xi32>
    tpu.vector_store %arg5[%swap3A_385], %swap3A_388 {strides = array<i32>} : memref<2048xi32, #tpu.memory_space<vmem>>, vector<16xi32>,
    %swap3A_389 = arith.constant 480 : index
    %swap3A_390 = tpu.vector_load %arg5[%swap3A_389] {strides = array<i32>} : memref<2048xi32, #tpu.memory_space<vmem>>, vector<16xi32>,
    %swap3A_391 = vector.shape_cast %swap3A_390 : vector<16xi32> to vector<16xi32>
    %swap3A_392 = vector.shape_cast %broadcast_in_dim3A_364 : vector<16xi32> to vector<16xi32>
    tpu.vector_store %arg5[%swap3A_389], %swap3A_392 {strides = array<i32>} : memref<2048xi32, #tpu.memory_space<vmem>>, vector<16xi32>,
    %swap3A_393 = arith.constant 496 : index
    %swap3A_394 = tpu.vector_load %arg5[%swap3A_393] {strides = array<i32>} : memref<2048xi32, #tpu.memory_space<vmem>>, vector<16xi32>,
    %swap3A_395 = vector.shape_cast %swap3A_394 : vector<16xi32> to vector<16xi32>
    %swap3A_396 = vector.shape_cast %broadcast_in_dim3A_364 : vector<16xi32> to vector<16xi32>
    tpu.vector_store %arg5[%swap3A_393], %swap3A_396 {strides = array<i32>} : memref<2048xi32, #tpu.memory_space<vmem>>, vector<16xi32>,
    %add3A_397 = arith.constant 4 : i32
    %add3A_398 = arith.addi %mul3A_33, %add3A_397 : i32
    %slice3A_399 = vector.extract_strided_slice %get3A_31 {offsets = [0], sizes = [1], strides = [1]} : vector<16xi32> to vector<1xi32>
    %squeeze3A_400 = vector.extract %slice3A_399[0] : i32 from vector<1xi32>
    %eq3A_401 = arith.cmpi eq, %squeeze3A_400, %add3A_398 : i32
    %jit3A_402 = arith.constant 1 : i32
    %jit3A_403 = arith.constant 0 : i32
    %select_n3A_404 = arith.select %eq3A_401, %jit3A_402, %jit3A_403 : i32
    %or3A_405 = arith.constant 0 : i32
    %or3A_406 = arith.ori %or3A_405, %select_n3A_404 : i32
    %slice3A_407 = vector.extract_strided_slice %get3A_31 {offsets = [1], sizes = [1], strides = [1]} : vector<16xi32> to vector<1xi32>
    %squeeze3A_408 = vector.extract %slice3A_407[0] : i32 from vector<1xi32>
    %eq3A_409 = arith.cmpi eq, %squeeze3A_408, %add3A_398 : i32
    %jit3A_410 = arith.constant 1 : i32
    %jit3A_411 = arith.constant 0 : i32
    %select_n3A_412 = arith.select %eq3A_409, %jit3A_410, %jit3A_411 : i32
    %or3A_413 = arith.ori %or3A_406, %select_n3A_412 : i32
    %slice3A_414 = vector.extract_strided_slice %get3A_31 {offsets = [2], sizes = [1], strides = [1]} : vector<16xi32> to vector<1xi32>
    %squeeze3A_415 = vector.extract %slice3A_414[0] : i32 from vector<1xi32>
    %eq3A_416 = arith.cmpi eq, %squeeze3A_415, %add3A_398 : i32
    %jit3A_417 = arith.constant 1 : i32
    %jit3A_418 = arith.constant 0 : i32
    %select_n3A_419 = arith.select %eq3A_416, %jit3A_417, %jit3A_418 : i32
    %or3A_420 = arith.ori %or3A_413, %select_n3A_419 : i32
    %slice3A_421 = vector.extract_strided_slice %get3A_31 {offsets = [3], sizes = [1], strides = [1]} : vector<16xi32> to vector<1xi32>
    %squeeze3A_422 = vector.extract %slice3A_421[0] : i32 from vector<1xi32>
    %eq3A_423 = arith.cmpi eq, %squeeze3A_422, %add3A_398 : i32
    %jit3A_424 = arith.constant 1 : i32
    %jit3A_425 = arith.constant 0 : i32
    %select_n3A_426 = arith.select %eq3A_423, %jit3A_424, %jit3A_425 : i32
    %or3A_427 = arith.ori %or3A_420, %select_n3A_426 : i32
    %slice3A_428 = vector.extract_strided_slice %get3A_31 {offsets = [4], sizes = [1], strides = [1]} : vector<16xi32> to vector<1xi32>
    %squeeze3A_429 = vector.extract %slice3A_428[0] : i32 from vector<1xi32>
    %eq3A_430 = arith.cmpi eq, %squeeze3A_429, %add3A_398 : i32
    %jit3A_431 = arith.constant 1 : i32
    %jit3A_432 = arith.constant 0 : i32
    %select_n3A_433 = arith.select %eq3A_430, %jit3A_431, %jit3A_432 : i32
    %or3A_434 = arith.ori %or3A_427, %select_n3A_433 : i32
    %slice3A_435 = vector.extract_strided_slice %get3A_31 {offsets = [5], sizes = [1], strides = [1]} : vector<16xi32> to vector<1xi32>
    %squeeze3A_436 = vector.extract %slice3A_435[0] : i32 from vector<1xi32>
    %eq3A_437 = arith.cmpi eq, %squeeze3A_436, %add3A_398 : i32
    %jit3A_438 = arith.constant 1 : i32
    %jit3A_439 = arith.constant 0 : i32
    %select_n3A_440 = arith.select %eq3A_437, %jit3A_438, %jit3A_439 : i32
    %or3A_441 = arith.ori %or3A_434, %select_n3A_440 : i32
    %slice3A_442 = vector.extract_strided_slice %get3A_31 {offsets = [6], sizes = [1], strides = [1]} : vector<16xi32> to vector<1xi32>
    %squeeze3A_443 = vector.extract %slice3A_442[0] : i32 from vector<1xi32>
    %eq3A_444 = arith.cmpi eq, %squeeze3A_443, %add3A_398 : i32
    %jit3A_445 = arith.constant 1 : i32
    %jit3A_446 = arith.constant 0 : i32
    %select_n3A_447 = arith.select %eq3A_444, %jit3A_445, %jit3A_446 : i32
    %or3A_448 = arith.ori %or3A_441, %select_n3A_447 : i32
    %slice3A_449 = vector.extract_strided_slice %get3A_31 {offsets = [7], sizes = [1], strides = [1]} : vector<16xi32> to vector<1xi32>
    %squeeze3A_450 = vector.extract %slice3A_449[0] : i32 from vector<1xi32>
    %eq3A_451 = arith.cmpi eq, %squeeze3A_450, %add3A_398 : i32
    %jit3A_452 = arith.constant 1 : i32
    %jit3A_453 = arith.constant 0 : i32
    %select_n3A_454 = arith.select %eq3A_451, %jit3A_452, %jit3A_453 : i32
    %or3A_455 = arith.ori %or3A_448, %select_n3A_454 : i32
    %broadcast_in_dim3A_456 = vector.broadcast %or3A_455 : i32 to vector<16xi32>
    %swap3A_457 = arith.constant 512 : index
    %swap3A_458 = tpu.vector_load %arg5[%swap3A_457] {strides = array<i32>} : memref<2048xi32, #tpu.memory_space<vmem>>, vector<16xi32>,
    %swap3A_459 = vector.shape_cast %swap3A_458 : vector<16xi32> to vector<16xi32>
    %swap3A_460 = vector.shape_cast %broadcast_in_dim3A_456 : vector<16xi32> to vector<16xi32>
    tpu.vector_store %arg5[%swap3A_457], %swap3A_460 {strides = array<i32>} : memref<2048xi32, #tpu.memory_space<vmem>>, vector<16xi32>,
    %swap3A_461 = arith.constant 528 : index
    %swap3A_462 = tpu.vector_load %arg5[%swap3A_461] {strides = array<i32>} : memref<2048xi32, #tpu.memory_space<vmem>>, vector<16xi32>,
    %swap3A_463 = vector.shape_cast %swap3A_462 : vector<16xi32> to vector<16xi32>
    %swap3A_464 = vector.shape_cast %broadcast_in_dim3A_456 : vector<16xi32> to vector<16xi32>
    tpu.vector_store %arg5[%swap3A_461], %swap3A_464 {strides = array<i32>} : memref<2048xi32, #tpu.memory_space<vmem>>, vector<16xi32>,
    %swap3A_465 = arith.constant 544 : index
    %swap3A_466 = tpu.vector_load %arg5[%swap3A_465] {strides = array<i32>} : memref<2048xi32, #tpu.memory_space<vmem>>, vector<16xi32>,
    %swap3A_467 = vector.shape_cast %swap3A_466 : vector<16xi32> to vector<16xi32>
    %swap3A_468 = vector.shape_cast %broadcast_in_dim3A_456 : vector<16xi32> to vector<16xi32>
    tpu.vector_store %arg5[%swap3A_465], %swap3A_468 {strides = array<i32>} : memref<2048xi32, #tpu.memory_space<vmem>>, vector<16xi32>,
    %swap3A_469 = arith.constant 560 : index
    %swap3A_470 = tpu.vector_load %arg5[%swap3A_469] {strides = array<i32>} : memref<2048xi32, #tpu.memory_space<vmem>>, vector<16xi32>,
    %swap3A_471 = vector.shape_cast %swap3A_470 : vector<16xi32> to vector<16xi32>
    %swap3A_472 = vector.shape_cast %broadcast_in_dim3A_456 : vector<16xi32> to vector<16xi32>
    tpu.vector_store %arg5[%swap3A_469], %swap3A_472 {strides = array<i32>} : memref<2048xi32, #tpu.memory_space<vmem>>, vector<16xi32>,
    %swap3A_473 = arith.constant 576 : index
    %swap3A_474 = tpu.vector_load %arg5[%swap3A_473] {strides = array<i32>} : memref<2048xi32, #tpu.memory_space<vmem>>, vector<16xi32>,
    %swap3A_475 = vector.shape_cast %swap3A_474 : vector<16xi32> to vector<16xi32>
    %swap3A_476 = vector.shape_cast %broadcast_in_dim3A_456 : vector<16xi32> to vector<16xi32>
    tpu.vector_store %arg5[%swap3A_473], %swap3A_476 {strides = array<i32>} : memref<2048xi32, #tpu.memory_space<vmem>>, vector<16xi32>,
    %swap3A_477 = arith.constant 592 : index
    %swap3A_478 = tpu.vector_load %arg5[%swap3A_477] {strides = array<i32>} : memref<2048xi32, #tpu.memory_space<vmem>>, vector<16xi32>,
    %swap3A_479 = vector.shape_cast %swap3A_478 : vector<16xi32> to vector<16xi32>
    %swap3A_480 = vector.shape_cast %broadcast_in_dim3A_456 : vector<16xi32> to vector<16xi32>
    tpu.vector_store %arg5[%swap3A_477], %swap3A_480 {strides = array<i32>} : memref<2048xi32, #tpu.memory_space<vmem>>, vector<16xi32>,
    %swap3A_481 = arith.constant 608 : index
    %swap3A_482 = tpu.vector_load %arg5[%swap3A_481] {strides = array<i32>} : memref<2048xi32, #tpu.memory_space<vmem>>, vector<16xi32>,
    %swap3A_483 = vector.shape_cast %swap3A_482 : vector<16xi32> to vector<16xi32>
    %swap3A_484 = vector.shape_cast %broadcast_in_dim3A_456 : vector<16xi32> to vector<16xi32>
    tpu.vector_store %arg5[%swap3A_481], %swap3A_484 {strides = array<i32>} : memref<2048xi32, #tpu.memory_space<vmem>>, vector<16xi32>,
    %swap3A_485 = arith.constant 624 : index
    %swap3A_486 = tpu.vector_load %arg5[%swap3A_485] {strides = array<i32>} : memref<2048xi32, #tpu.memory_space<vmem>>, vector<16xi32>,
    %swap3A_487 = vector.shape_cast %swap3A_486 : vector<16xi32> to vector<16xi32>
    %swap3A_488 = vector.shape_cast %broadcast_in_dim3A_456 : vector<16xi32> to vector<16xi32>
    tpu.vector_store %arg5[%swap3A_485], %swap3A_488 {strides = array<i32>} : memref<2048xi32, #tpu.memory_space<vmem>>, vector<16xi32>,
    %add3A_489 = arith.constant 5 : i32
    %add3A_490 = arith.addi %mul3A_33, %add3A_489 : i32
    %slice3A_491 = vector.extract_strided_slice %get3A_31 {offsets = [0], sizes = [1], strides = [1]} : vector<16xi32> to vector<1xi32>
    %squeeze3A_492 = vector.extract %slice3A_491[0] : i32 from vector<1xi32>
    %eq3A_493 = arith.cmpi eq, %squeeze3A_492, %add3A_490 : i32
    %jit3A_494 = arith.constant 1 : i32
    %jit3A_495 = arith.constant 0 : i32
    %select_n3A_496 = arith.select %eq3A_493, %jit3A_494, %jit3A_495 : i32
    %or3A_497 = arith.constant 0 : i32
    %or3A_498 = arith.ori %or3A_497, %select_n3A_496 : i32
    %slice3A_499 = vector.extract_strided_slice %get3A_31 {offsets = [1], sizes = [1], strides = [1]} : vector<16xi32> to vector<1xi32>
    %squeeze3A_500 = vector.extract %slice3A_499[0] : i32 from vector<1xi32>
    %eq3A_501 = arith.cmpi eq, %squeeze3A_500, %add3A_490 : i32
    %jit3A_502 = arith.constant 1 : i32
    %jit3A_503 = arith.constant 0 : i32
    %select_n3A_504 = arith.select %eq3A_501, %jit3A_502, %jit3A_503 : i32
    %or3A_505 = arith.ori %or3A_498, %select_n3A_504 : i32
    %slice3A_506 = vector.extract_strided_slice %get3A_31 {offsets = [2], sizes = [1], strides = [1]} : vector<16xi32> to vector<1xi32>
    %squeeze3A_507 = vector.extract %slice3A_506[0] : i32 from vector<1xi32>
    %eq3A_508 = arith.cmpi eq, %squeeze3A_507, %add3A_490 : i32
    %jit3A_509 = arith.constant 1 : i32
    %jit3A_510 = arith.constant 0 : i32
    %select_n3A_511 = arith.select %eq3A_508, %jit3A_509, %jit3A_510 : i32
    %or3A_512 = arith.ori %or3A_505, %select_n3A_511 : i32
    %slice3A_513 = vector.extract_strided_slice %get3A_31 {offsets = [3], sizes = [1], strides = [1]} : vector<16xi32> to vector<1xi32>
    %squeeze3A_514 = vector.extract %slice3A_513[0] : i32 from vector<1xi32>
    %eq3A_515 = arith.cmpi eq, %squeeze3A_514, %add3A_490 : i32
    %jit3A_516 = arith.constant 1 : i32
    %jit3A_517 = arith.constant 0 : i32
    %select_n3A_518 = arith.select %eq3A_515, %jit3A_516, %jit3A_517 : i32
    %or3A_519 = arith.ori %or3A_512, %select_n3A_518 : i32
    %slice3A_520 = vector.extract_strided_slice %get3A_31 {offsets = [4], sizes = [1], strides = [1]} : vector<16xi32> to vector<1xi32>
    %squeeze3A_521 = vector.extract %slice3A_520[0] : i32 from vector<1xi32>
    %eq3A_522 = arith.cmpi eq, %squeeze3A_521, %add3A_490 : i32
    %jit3A_523 = arith.constant 1 : i32
    %jit3A_524 = arith.constant 0 : i32
    %select_n3A_525 = arith.select %eq3A_522, %jit3A_523, %jit3A_524 : i32
    %or3A_526 = arith.ori %or3A_519, %select_n3A_525 : i32
    %slice3A_527 = vector.extract_strided_slice %get3A_31 {offsets = [5], sizes = [1], strides = [1]} : vector<16xi32> to vector<1xi32>
    %squeeze3A_528 = vector.extract %slice3A_527[0] : i32 from vector<1xi32>
    %eq3A_529 = arith.cmpi eq, %squeeze3A_528, %add3A_490 : i32
    %jit3A_530 = arith.constant 1 : i32
    %jit3A_531 = arith.constant 0 : i32
    %select_n3A_532 = arith.select %eq3A_529, %jit3A_530, %jit3A_531 : i32
    %or3A_533 = arith.ori %or3A_526, %select_n3A_532 : i32
    %slice3A_534 = vector.extract_strided_slice %get3A_31 {offsets = [6], sizes = [1], strides = [1]} : vector<16xi32> to vector<1xi32>
    %squeeze3A_535 = vector.extract %slice3A_534[0] : i32 from vector<1xi32>
    %eq3A_536 = arith.cmpi eq, %squeeze3A_535, %add3A_490 : i32
    %jit3A_537 = arith.constant 1 : i32
    %jit3A_538 = arith.constant 0 : i32
    %select_n3A_539 = arith.select %eq3A_536, %jit3A_537, %jit3A_538 : i32
    %or3A_540 = arith.ori %or3A_533, %select_n3A_539 : i32
    %slice3A_541 = vector.extract_strided_slice %get3A_31 {offsets = [7], sizes = [1], strides = [1]} : vector<16xi32> to vector<1xi32>
    %squeeze3A_542 = vector.extract %slice3A_541[0] : i32 from vector<1xi32>
    %eq3A_543 = arith.cmpi eq, %squeeze3A_542, %add3A_490 : i32
    %jit3A_544 = arith.constant 1 : i32
    %jit3A_545 = arith.constant 0 : i32
    %select_n3A_546 = arith.select %eq3A_543, %jit3A_544, %jit3A_545 : i32
    %or3A_547 = arith.ori %or3A_540, %select_n3A_546 : i32
    %broadcast_in_dim3A_548 = vector.broadcast %or3A_547 : i32 to vector<16xi32>
    %swap3A_549 = arith.constant 640 : index
    %swap3A_550 = tpu.vector_load %arg5[%swap3A_549] {strides = array<i32>} : memref<2048xi32, #tpu.memory_space<vmem>>, vector<16xi32>,
    %swap3A_551 = vector.shape_cast %swap3A_550 : vector<16xi32> to vector<16xi32>
    %swap3A_552 = vector.shape_cast %broadcast_in_dim3A_548 : vector<16xi32> to vector<16xi32>
    tpu.vector_store %arg5[%swap3A_549], %swap3A_552 {strides = array<i32>} : memref<2048xi32, #tpu.memory_space<vmem>>, vector<16xi32>,
    %swap3A_553 = arith.constant 656 : index
    %swap3A_554 = tpu.vector_load %arg5[%swap3A_553] {strides = array<i32>} : memref<2048xi32, #tpu.memory_space<vmem>>, vector<16xi32>,
    %swap3A_555 = vector.shape_cast %swap3A_554 : vector<16xi32> to vector<16xi32>
    %swap3A_556 = vector.shape_cast %broadcast_in_dim3A_548 : vector<16xi32> to vector<16xi32>
    tpu.vector_store %arg5[%swap3A_553], %swap3A_556 {strides = array<i32>} : memref<2048xi32, #tpu.memory_space<vmem>>, vector<16xi32>,
    %swap3A_557 = arith.constant 672 : index
    %swap3A_558 = tpu.vector_load %arg5[%swap3A_557] {strides = array<i32>} : memref<2048xi32, #tpu.memory_space<vmem>>, vector<16xi32>,
    %swap3A_559 = vector.shape_cast %swap3A_558 : vector<16xi32> to vector<16xi32>
    %swap3A_560 = vector.shape_cast %broadcast_in_dim3A_548 : vector<16xi32> to vector<16xi32>
    tpu.vector_store %arg5[%swap3A_557], %swap3A_560 {strides = array<i32>} : memref<2048xi32, #tpu.memory_space<vmem>>, vector<16xi32>,
    %swap3A_561 = arith.constant 688 : index
    %swap3A_562 = tpu.vector_load %arg5[%swap3A_561] {strides = array<i32>} : memref<2048xi32, #tpu.memory_space<vmem>>, vector<16xi32>,
    %swap3A_563 = vector.shape_cast %swap3A_562 : vector<16xi32> to vector<16xi32>
    %swap3A_564 = vector.shape_cast %broadcast_in_dim3A_548 : vector<16xi32> to vector<16xi32>
    tpu.vector_store %arg5[%swap3A_561], %swap3A_564 {strides = array<i32>} : memref<2048xi32, #tpu.memory_space<vmem>>, vector<16xi32>,
    %swap3A_565 = arith.constant 704 : index
    %swap3A_566 = tpu.vector_load %arg5[%swap3A_565] {strides = array<i32>} : memref<2048xi32, #tpu.memory_space<vmem>>, vector<16xi32>,
    %swap3A_567 = vector.shape_cast %swap3A_566 : vector<16xi32> to vector<16xi32>
    %swap3A_568 = vector.shape_cast %broadcast_in_dim3A_548 : vector<16xi32> to vector<16xi32>
    tpu.vector_store %arg5[%swap3A_565], %swap3A_568 {strides = array<i32>} : memref<2048xi32, #tpu.memory_space<vmem>>, vector<16xi32>,
    %swap3A_569 = arith.constant 720 : index
    %swap3A_570 = tpu.vector_load %arg5[%swap3A_569] {strides = array<i32>} : memref<2048xi32, #tpu.memory_space<vmem>>, vector<16xi32>,
    %swap3A_571 = vector.shape_cast %swap3A_570 : vector<16xi32> to vector<16xi32>
    %swap3A_572 = vector.shape_cast %broadcast_in_dim3A_548 : vector<16xi32> to vector<16xi32>
    tpu.vector_store %arg5[%swap3A_569], %swap3A_572 {strides = array<i32>} : memref<2048xi32, #tpu.memory_space<vmem>>, vector<16xi32>,
    %swap3A_573 = arith.constant 736 : index
    %swap3A_574 = tpu.vector_load %arg5[%swap3A_573] {strides = array<i32>} : memref<2048xi32, #tpu.memory_space<vmem>>, vector<16xi32>,
    %swap3A_575 = vector.shape_cast %swap3A_574 : vector<16xi32> to vector<16xi32>
    %swap3A_576 = vector.shape_cast %broadcast_in_dim3A_548 : vector<16xi32> to vector<16xi32>
    tpu.vector_store %arg5[%swap3A_573], %swap3A_576 {strides = array<i32>} : memref<2048xi32, #tpu.memory_space<vmem>>, vector<16xi32>,
    %swap3A_577 = arith.constant 752 : index
    %swap3A_578 = tpu.vector_load %arg5[%swap3A_577] {strides = array<i32>} : memref<2048xi32, #tpu.memory_space<vmem>>, vector<16xi32>,
    %swap3A_579 = vector.shape_cast %swap3A_578 : vector<16xi32> to vector<16xi32>
    %swap3A_580 = vector.shape_cast %broadcast_in_dim3A_548 : vector<16xi32> to vector<16xi32>
    tpu.vector_store %arg5[%swap3A_577], %swap3A_580 {strides = array<i32>} : memref<2048xi32, #tpu.memory_space<vmem>>, vector<16xi32>,
    %add3A_581 = arith.constant 6 : i32
    %add3A_582 = arith.addi %mul3A_33, %add3A_581 : i32
    %slice3A_583 = vector.extract_strided_slice %get3A_31 {offsets = [0], sizes = [1], strides = [1]} : vector<16xi32> to vector<1xi32>
    %squeeze3A_584 = vector.extract %slice3A_583[0] : i32 from vector<1xi32>
    %eq3A_585 = arith.cmpi eq, %squeeze3A_584, %add3A_582 : i32
    %jit3A_586 = arith.constant 1 : i32
    %jit3A_587 = arith.constant 0 : i32
    %select_n3A_588 = arith.select %eq3A_585, %jit3A_586, %jit3A_587 : i32
    %or3A_589 = arith.constant 0 : i32
    %or3A_590 = arith.ori %or3A_589, %select_n3A_588 : i32
    %slice3A_591 = vector.extract_strided_slice %get3A_31 {offsets = [1], sizes = [1], strides = [1]} : vector<16xi32> to vector<1xi32>
    %squeeze3A_592 = vector.extract %slice3A_591[0] : i32 from vector<1xi32>
    %eq3A_593 = arith.cmpi eq, %squeeze3A_592, %add3A_582 : i32
    %jit3A_594 = arith.constant 1 : i32
    %jit3A_595 = arith.constant 0 : i32
    %select_n3A_596 = arith.select %eq3A_593, %jit3A_594, %jit3A_595 : i32
    %or3A_597 = arith.ori %or3A_590, %select_n3A_596 : i32
    %slice3A_598 = vector.extract_strided_slice %get3A_31 {offsets = [2], sizes = [1], strides = [1]} : vector<16xi32> to vector<1xi32>
    %squeeze3A_599 = vector.extract %slice3A_598[0] : i32 from vector<1xi32>
    %eq3A_600 = arith.cmpi eq, %squeeze3A_599, %add3A_582 : i32
    %jit3A_601 = arith.constant 1 : i32
    %jit3A_602 = arith.constant 0 : i32
    %select_n3A_603 = arith.select %eq3A_600, %jit3A_601, %jit3A_602 : i32
    %or3A_604 = arith.ori %or3A_597, %select_n3A_603 : i32
    %slice3A_605 = vector.extract_strided_slice %get3A_31 {offsets = [3], sizes = [1], strides = [1]} : vector<16xi32> to vector<1xi32>
    %squeeze3A_606 = vector.extract %slice3A_605[0] : i32 from vector<1xi32>
    %eq3A_607 = arith.cmpi eq, %squeeze3A_606, %add3A_582 : i32
    %jit3A_608 = arith.constant 1 : i32
    %jit3A_609 = arith.constant 0 : i32
    %select_n3A_610 = arith.select %eq3A_607, %jit3A_608, %jit3A_609 : i32
    %or3A_611 = arith.ori %or3A_604, %select_n3A_610 : i32
    %slice3A_612 = vector.extract_strided_slice %get3A_31 {offsets = [4], sizes = [1], strides = [1]} : vector<16xi32> to vector<1xi32>
    %squeeze3A_613 = vector.extract %slice3A_612[0] : i32 from vector<1xi32>
    %eq3A_614 = arith.cmpi eq, %squeeze3A_613, %add3A_582 : i32
    %jit3A_615 = arith.constant 1 : i32
    %jit3A_616 = arith.constant 0 : i32
    %select_n3A_617 = arith.select %eq3A_614, %jit3A_615, %jit3A_616 : i32
    %or3A_618 = arith.ori %or3A_611, %select_n3A_617 : i32
    %slice3A_619 = vector.extract_strided_slice %get3A_31 {offsets = [5], sizes = [1], strides = [1]} : vector<16xi32> to vector<1xi32>
    %squeeze3A_620 = vector.extract %slice3A_619[0] : i32 from vector<1xi32>
    %eq3A_621 = arith.cmpi eq, %squeeze3A_620, %add3A_582 : i32
    %jit3A_622 = arith.constant 1 : i32
    %jit3A_623 = arith.constant 0 : i32
    %select_n3A_624 = arith.select %eq3A_621, %jit3A_622, %jit3A_623 : i32
    %or3A_625 = arith.ori %or3A_618, %select_n3A_624 : i32
    %slice3A_626 = vector.extract_strided_slice %get3A_31 {offsets = [6], sizes = [1], strides = [1]} : vector<16xi32> to vector<1xi32>
    %squeeze3A_627 = vector.extract %slice3A_626[0] : i32 from vector<1xi32>
    %eq3A_628 = arith.cmpi eq, %squeeze3A_627, %add3A_582 : i32
    %jit3A_629 = arith.constant 1 : i32
    %jit3A_630 = arith.constant 0 : i32
    %select_n3A_631 = arith.select %eq3A_628, %jit3A_629, %jit3A_630 : i32
    %or3A_632 = arith.ori %or3A_625, %select_n3A_631 : i32
    %slice3A_633 = vector.extract_strided_slice %get3A_31 {offsets = [7], sizes = [1], strides = [1]} : vector<16xi32> to vector<1xi32>
    %squeeze3A_634 = vector.extract %slice3A_633[0] : i32 from vector<1xi32>
    %eq3A_635 = arith.cmpi eq, %squeeze3A_634, %add3A_582 : i32
    %jit3A_636 = arith.constant 1 : i32
    %jit3A_637 = arith.constant 0 : i32
    %select_n3A_638 = arith.select %eq3A_635, %jit3A_636, %jit3A_637 : i32
    %or3A_639 = arith.ori %or3A_632, %select_n3A_638 : i32
    %broadcast_in_dim3A_640 = vector.broadcast %or3A_639 : i32 to vector<16xi32>
    %swap3A_641 = arith.constant 768 : index
    %swap3A_642 = tpu.vector_load %arg5[%swap3A_641] {strides = array<i32>} : memref<2048xi32, #tpu.memory_space<vmem>>, vector<16xi32>,
    %swap3A_643 = vector.shape_cast %swap3A_642 : vector<16xi32> to vector<16xi32>
    %swap3A_644 = vector.shape_cast %broadcast_in_dim3A_640 : vector<16xi32> to vector<16xi32>
    tpu.vector_store %arg5[%swap3A_641], %swap3A_644 {strides = array<i32>} : memref<2048xi32, #tpu.memory_space<vmem>>, vector<16xi32>,
    %swap3A_645 = arith.constant 784 : index
    %swap3A_646 = tpu.vector_load %arg5[%swap3A_645] {strides = array<i32>} : memref<2048xi32, #tpu.memory_space<vmem>>, vector<16xi32>,
    %swap3A_647 = vector.shape_cast %swap3A_646 : vector<16xi32> to vector<16xi32>
    %swap3A_648 = vector.shape_cast %broadcast_in_dim3A_640 : vector<16xi32> to vector<16xi32>
    tpu.vector_store %arg5[%swap3A_645], %swap3A_648 {strides = array<i32>} : memref<2048xi32, #tpu.memory_space<vmem>>, vector<16xi32>,
    %swap3A_649 = arith.constant 800 : index
    %swap3A_650 = tpu.vector_load %arg5[%swap3A_649] {strides = array<i32>} : memref<2048xi32, #tpu.memory_space<vmem>>, vector<16xi32>,
    %swap3A_651 = vector.shape_cast %swap3A_650 : vector<16xi32> to vector<16xi32>
    %swap3A_652 = vector.shape_cast %broadcast_in_dim3A_640 : vector<16xi32> to vector<16xi32>
    tpu.vector_store %arg5[%swap3A_649], %swap3A_652 {strides = array<i32>} : memref<2048xi32, #tpu.memory_space<vmem>>, vector<16xi32>,
    %swap3A_653 = arith.constant 816 : index
    %swap3A_654 = tpu.vector_load %arg5[%swap3A_653] {strides = array<i32>} : memref<2048xi32, #tpu.memory_space<vmem>>, vector<16xi32>,
    %swap3A_655 = vector.shape_cast %swap3A_654 : vector<16xi32> to vector<16xi32>
    %swap3A_656 = vector.shape_cast %broadcast_in_dim3A_640 : vector<16xi32> to vector<16xi32>
    tpu.vector_store %arg5[%swap3A_653], %swap3A_656 {strides = array<i32>} : memref<2048xi32, #tpu.memory_space<vmem>>, vector<16xi32>,
    %swap3A_657 = arith.constant 832 : index
    %swap3A_658 = tpu.vector_load %arg5[%swap3A_657] {strides = array<i32>} : memref<2048xi32, #tpu.memory_space<vmem>>, vector<16xi32>,
    %swap3A_659 = vector.shape_cast %swap3A_658 : vector<16xi32> to vector<16xi32>
    %swap3A_660 = vector.shape_cast %broadcast_in_dim3A_640 : vector<16xi32> to vector<16xi32>
    tpu.vector_store %arg5[%swap3A_657], %swap3A_660 {strides = array<i32>} : memref<2048xi32, #tpu.memory_space<vmem>>, vector<16xi32>,
    %swap3A_661 = arith.constant 848 : index
    %swap3A_662 = tpu.vector_load %arg5[%swap3A_661] {strides = array<i32>} : memref<2048xi32, #tpu.memory_space<vmem>>, vector<16xi32>,
    %swap3A_663 = vector.shape_cast %swap3A_662 : vector<16xi32> to vector<16xi32>
    %swap3A_664 = vector.shape_cast %broadcast_in_dim3A_640 : vector<16xi32> to vector<16xi32>
    tpu.vector_store %arg5[%swap3A_661], %swap3A_664 {strides = array<i32>} : memref<2048xi32, #tpu.memory_space<vmem>>, vector<16xi32>,
    %swap3A_665 = arith.constant 864 : index
    %swap3A_666 = tpu.vector_load %arg5[%swap3A_665] {strides = array<i32>} : memref<2048xi32, #tpu.memory_space<vmem>>, vector<16xi32>,
    %swap3A_667 = vector.shape_cast %swap3A_666 : vector<16xi32> to vector<16xi32>
    %swap3A_668 = vector.shape_cast %broadcast_in_dim3A_640 : vector<16xi32> to vector<16xi32>
    tpu.vector_store %arg5[%swap3A_665], %swap3A_668 {strides = array<i32>} : memref<2048xi32, #tpu.memory_space<vmem>>, vector<16xi32>,
    %swap3A_669 = arith.constant 880 : index
    %swap3A_670 = tpu.vector_load %arg5[%swap3A_669] {strides = array<i32>} : memref<2048xi32, #tpu.memory_space<vmem>>, vector<16xi32>,
    %swap3A_671 = vector.shape_cast %swap3A_670 : vector<16xi32> to vector<16xi32>
    %swap3A_672 = vector.shape_cast %broadcast_in_dim3A_640 : vector<16xi32> to vector<16xi32>
    tpu.vector_store %arg5[%swap3A_669], %swap3A_672 {strides = array<i32>} : memref<2048xi32, #tpu.memory_space<vmem>>, vector<16xi32>,
    %add3A_673 = arith.constant 7 : i32
    %add3A_674 = arith.addi %mul3A_33, %add3A_673 : i32
    %slice3A_675 = vector.extract_strided_slice %get3A_31 {offsets = [0], sizes = [1], strides = [1]} : vector<16xi32> to vector<1xi32>
    %squeeze3A_676 = vector.extract %slice3A_675[0] : i32 from vector<1xi32>
    %eq3A_677 = arith.cmpi eq, %squeeze3A_676, %add3A_674 : i32
    %jit3A_678 = arith.constant 1 : i32
    %jit3A_679 = arith.constant 0 : i32
    %select_n3A_680 = arith.select %eq3A_677, %jit3A_678, %jit3A_679 : i32
    %or3A_681 = arith.constant 0 : i32
    %or3A_682 = arith.ori %or3A_681, %select_n3A_680 : i32
    %slice3A_683 = vector.extract_strided_slice %get3A_31 {offsets = [1], sizes = [1], strides = [1]} : vector<16xi32> to vector<1xi32>
    %squeeze3A_684 = vector.extract %slice3A_683[0] : i32 from vector<1xi32>
    %eq3A_685 = arith.cmpi eq, %squeeze3A_684, %add3A_674 : i32
    %jit3A_686 = arith.constant 1 : i32
    %jit3A_687 = arith.constant 0 : i32
    %select_n3A_688 = arith.select %eq3A_685, %jit3A_686, %jit3A_687 : i32
    %or3A_689 = arith.ori %or3A_682, %select_n3A_688 : i32
    %slice3A_690 = vector.extract_strided_slice %get3A_31 {offsets = [2], sizes = [1], strides = [1]} : vector<16xi32> to vector<1xi32>
    %squeeze3A_691 = vector.extract %slice3A_690[0] : i32 from vector<1xi32>
    %eq3A_692 = arith.cmpi eq, %squeeze3A_691, %add3A_674 : i32
    %jit3A_693 = arith.constant 1 : i32
    %jit3A_694 = arith.constant 0 : i32
    %select_n3A_695 = arith.select %eq3A_692, %jit3A_693, %jit3A_694 : i32
    %or3A_696 = arith.ori %or3A_689, %select_n3A_695 : i32
    %slice3A_697 = vector.extract_strided_slice %get3A_31 {offsets = [3], sizes = [1], strides = [1]} : vector<16xi32> to vector<1xi32>
    %squeeze3A_698 = vector.extract %slice3A_697[0] : i32 from vector<1xi32>
    %eq3A_699 = arith.cmpi eq, %squeeze3A_698, %add3A_674 : i32
    %jit3A_700 = arith.constant 1 : i32
    %jit3A_701 = arith.constant 0 : i32
    %select_n3A_702 = arith.select %eq3A_699, %jit3A_700, %jit3A_701 : i32
    %or3A_703 = arith.ori %or3A_696, %select_n3A_702 : i32
    %slice3A_704 = vector.extract_strided_slice %get3A_31 {offsets = [4], sizes = [1], strides = [1]} : vector<16xi32> to vector<1xi32>
    %squeeze3A_705 = vector.extract %slice3A_704[0] : i32 from vector<1xi32>
    %eq3A_706 = arith.cmpi eq, %squeeze3A_705, %add3A_674 : i32
    %jit3A_707 = arith.constant 1 : i32
    %jit3A_708 = arith.constant 0 : i32
    %select_n3A_709 = arith.select %eq3A_706, %jit3A_707, %jit3A_708 : i32
    %or3A_710 = arith.ori %or3A_703, %select_n3A_709 : i32
    %slice3A_711 = vector.extract_strided_slice %get3A_31 {offsets = [5], sizes = [1], strides = [1]} : vector<16xi32> to vector<1xi32>
    %squeeze3A_712 = vector.extract %slice3A_711[0] : i32 from vector<1xi32>
    %eq3A_713 = arith.cmpi eq, %squeeze3A_712, %add3A_674 : i32
    %jit3A_714 = arith.constant 1 : i32
    %jit3A_715 = arith.constant 0 : i32
    %select_n3A_716 = arith.select %eq3A_713, %jit3A_714, %jit3A_715 : i32
    %or3A_717 = arith.ori %or3A_710, %select_n3A_716 : i32
    %slice3A_718 = vector.extract_strided_slice %get3A_31 {offsets = [6], sizes = [1], strides = [1]} : vector<16xi32> to vector<1xi32>
    %squeeze3A_719 = vector.extract %slice3A_718[0] : i32 from vector<1xi32>
    %eq3A_720 = arith.cmpi eq, %squeeze3A_719, %add3A_674 : i32
    %jit3A_721 = arith.constant 1 : i32
    %jit3A_722 = arith.constant 0 : i32
    %select_n3A_723 = arith.select %eq3A_720, %jit3A_721, %jit3A_722 : i32
    %or3A_724 = arith.ori %or3A_717, %select_n3A_723 : i32
    %slice3A_725 = vector.extract_strided_slice %get3A_31 {offsets = [7], sizes = [1], strides = [1]} : vector<16xi32> to vector<1xi32>
    %squeeze3A_726 = vector.extract %slice3A_725[0] : i32 from vector<1xi32>
    %eq3A_727 = arith.cmpi eq, %squeeze3A_726, %add3A_674 : i32
    %jit3A_728 = arith.constant 1 : i32
    %jit3A_729 = arith.constant 0 : i32
    %select_n3A_730 = arith.select %eq3A_727, %jit3A_728, %jit3A_729 : i32
    %or3A_731 = arith.ori %or3A_724, %select_n3A_730 : i32
    %broadcast_in_dim3A_732 = vector.broadcast %or3A_731 : i32 to vector<16xi32>
    %swap3A_733 = arith.constant 896 : index
    %swap3A_734 = tpu.vector_load %arg5[%swap3A_733] {strides = array<i32>} : memref<2048xi32, #tpu.memory_space<vmem>>, vector<16xi32>,
    %swap3A_735 = vector.shape_cast %swap3A_734 : vector<16xi32> to vector<16xi32>
    %swap3A_736 = vector.shape_cast %broadcast_in_dim3A_732 : vector<16xi32> to vector<16xi32>
    tpu.vector_store %arg5[%swap3A_733], %swap3A_736 {strides = array<i32>} : memref<2048xi32, #tpu.memory_space<vmem>>, vector<16xi32>,
    %swap3A_737 = arith.constant 912 : index
    %swap3A_738 = tpu.vector_load %arg5[%swap3A_737] {strides = array<i32>} : memref<2048xi32, #tpu.memory_space<vmem>>, vector<16xi32>,
    %swap3A_739 = vector.shape_cast %swap3A_738 : vector<16xi32> to vector<16xi32>
    %swap3A_740 = vector.shape_cast %broadcast_in_dim3A_732 : vector<16xi32> to vector<16xi32>
    tpu.vector_store %arg5[%swap3A_737], %swap3A_740 {strides = array<i32>} : memref<2048xi32, #tpu.memory_space<vmem>>, vector<16xi32>,
    %swap3A_741 = arith.constant 928 : index
    %swap3A_742 = tpu.vector_load %arg5[%swap3A_741] {strides = array<i32>} : memref<2048xi32, #tpu.memory_space<vmem>>, vector<16xi32>,
    %swap3A_743 = vector.shape_cast %swap3A_742 : vector<16xi32> to vector<16xi32>
    %swap3A_744 = vector.shape_cast %broadcast_in_dim3A_732 : vector<16xi32> to vector<16xi32>
    tpu.vector_store %arg5[%swap3A_741], %swap3A_744 {strides = array<i32>} : memref<2048xi32, #tpu.memory_space<vmem>>, vector<16xi32>,
    %swap3A_745 = arith.constant 944 : index
    %swap3A_746 = tpu.vector_load %arg5[%swap3A_745] {strides = array<i32>} : memref<2048xi32, #tpu.memory_space<vmem>>, vector<16xi32>,
    %swap3A_747 = vector.shape_cast %swap3A_746 : vector<16xi32> to vector<16xi32>
    %swap3A_748 = vector.shape_cast %broadcast_in_dim3A_732 : vector<16xi32> to vector<16xi32>
    tpu.vector_store %arg5[%swap3A_745], %swap3A_748 {strides = array<i32>} : memref<2048xi32, #tpu.memory_space<vmem>>, vector<16xi32>,
    %swap3A_749 = arith.constant 960 : index
    %swap3A_750 = tpu.vector_load %arg5[%swap3A_749] {strides = array<i32>} : memref<2048xi32, #tpu.memory_space<vmem>>, vector<16xi32>,
    %swap3A_751 = vector.shape_cast %swap3A_750 : vector<16xi32> to vector<16xi32>
    %swap3A_752 = vector.shape_cast %broadcast_in_dim3A_732 : vector<16xi32> to vector<16xi32>
    tpu.vector_store %arg5[%swap3A_749], %swap3A_752 {strides = array<i32>} : memref<2048xi32, #tpu.memory_space<vmem>>, vector<16xi32>,
    %swap3A_753 = arith.constant 976 : index
    %swap3A_754 = tpu.vector_load %arg5[%swap3A_753] {strides = array<i32>} : memref<2048xi32, #tpu.memory_space<vmem>>, vector<16xi32>,
    %swap3A_755 = vector.shape_cast %swap3A_754 : vector<16xi32> to vector<16xi32>
    %swap3A_756 = vector.shape_cast %broadcast_in_dim3A_732 : vector<16xi32> to vector<16xi32>
    tpu.vector_store %arg5[%swap3A_753], %swap3A_756 {strides = array<i32>} : memref<2048xi32, #tpu.memory_space<vmem>>, vector<16xi32>,
    %swap3A_757 = arith.constant 992 : index
    %swap3A_758 = tpu.vector_load %arg5[%swap3A_757] {strides = array<i32>} : memref<2048xi32, #tpu.memory_space<vmem>>, vector<16xi32>,
    %swap3A_759 = vector.shape_cast %swap3A_758 : vector<16xi32> to vector<16xi32>
    %swap3A_760 = vector.shape_cast %broadcast_in_dim3A_732 : vector<16xi32> to vector<16xi32>
    tpu.vector_store %arg5[%swap3A_757], %swap3A_760 {strides = array<i32>} : memref<2048xi32, #tpu.memory_space<vmem>>, vector<16xi32>,
    %swap3A_761 = arith.constant 1008 : index
    %swap3A_762 = tpu.vector_load %arg5[%swap3A_761] {strides = array<i32>} : memref<2048xi32, #tpu.memory_space<vmem>>, vector<16xi32>,
    %swap3A_763 = vector.shape_cast %swap3A_762 : vector<16xi32> to vector<16xi32>
    %swap3A_764 = vector.shape_cast %broadcast_in_dim3A_732 : vector<16xi32> to vector<16xi32>
    tpu.vector_store %arg5[%swap3A_761], %swap3A_764 {strides = array<i32>} : memref<2048xi32, #tpu.memory_space<vmem>>, vector<16xi32>,
    %add3A_765 = arith.constant 8 : i32
    %add3A_766 = arith.addi %mul3A_33, %add3A_765 : i32
    %slice3A_767 = vector.extract_strided_slice %get3A_31 {offsets = [0], sizes = [1], strides = [1]} : vector<16xi32> to vector<1xi32>
    %squeeze3A_768 = vector.extract %slice3A_767[0] : i32 from vector<1xi32>
    %eq3A_769 = arith.cmpi eq, %squeeze3A_768, %add3A_766 : i32
    %jit3A_770 = arith.constant 1 : i32
    %jit3A_771 = arith.constant 0 : i32
    %select_n3A_772 = arith.select %eq3A_769, %jit3A_770, %jit3A_771 : i32
    %or3A_773 = arith.constant 0 : i32
    %or3A_774 = arith.ori %or3A_773, %select_n3A_772 : i32
    %slice3A_775 = vector.extract_strided_slice %get3A_31 {offsets = [1], sizes = [1], strides = [1]} : vector<16xi32> to vector<1xi32>
    %squeeze3A_776 = vector.extract %slice3A_775[0] : i32 from vector<1xi32>
    %eq3A_777 = arith.cmpi eq, %squeeze3A_776, %add3A_766 : i32
    %jit3A_778 = arith.constant 1 : i32
    %jit3A_779 = arith.constant 0 : i32
    %select_n3A_780 = arith.select %eq3A_777, %jit3A_778, %jit3A_779 : i32
    %or3A_781 = arith.ori %or3A_774, %select_n3A_780 : i32
    %slice3A_782 = vector.extract_strided_slice %get3A_31 {offsets = [2], sizes = [1], strides = [1]} : vector<16xi32> to vector<1xi32>
    %squeeze3A_783 = vector.extract %slice3A_782[0] : i32 from vector<1xi32>
    %eq3A_784 = arith.cmpi eq, %squeeze3A_783, %add3A_766 : i32
    %jit3A_785 = arith.constant 1 : i32
    %jit3A_786 = arith.constant 0 : i32
    %select_n3A_787 = arith.select %eq3A_784, %jit3A_785, %jit3A_786 : i32
    %or3A_788 = arith.ori %or3A_781, %select_n3A_787 : i32
    %slice3A_789 = vector.extract_strided_slice %get3A_31 {offsets = [3], sizes = [1], strides = [1]} : vector<16xi32> to vector<1xi32>
    %squeeze3A_790 = vector.extract %slice3A_789[0] : i32 from vector<1xi32>
    %eq3A_791 = arith.cmpi eq, %squeeze3A_790, %add3A_766 : i32
    %jit3A_792 = arith.constant 1 : i32
    %jit3A_793 = arith.constant 0 : i32
    %select_n3A_794 = arith.select %eq3A_791, %jit3A_792, %jit3A_793 : i32
    %or3A_795 = arith.ori %or3A_788, %select_n3A_794 : i32
    %slice3A_796 = vector.extract_strided_slice %get3A_31 {offsets = [4], sizes = [1], strides = [1]} : vector<16xi32> to vector<1xi32>
    %squeeze3A_797 = vector.extract %slice3A_796[0] : i32 from vector<1xi32>
    %eq3A_798 = arith.cmpi eq, %squeeze3A_797, %add3A_766 : i32
    %jit3A_799 = arith.constant 1 : i32
    %jit3A_800 = arith.constant 0 : i32
    %select_n3A_801 = arith.select %eq3A_798, %jit3A_799, %jit3A_800 : i32
    %or3A_802 = arith.ori %or3A_795, %select_n3A_801 : i32
    %slice3A_803 = vector.extract_strided_slice %get3A_31 {offsets = [5], sizes = [1], strides = [1]} : vector<16xi32> to vector<1xi32>
    %squeeze3A_804 = vector.extract %slice3A_803[0] : i32 from vector<1xi32>
    %eq3A_805 = arith.cmpi eq, %squeeze3A_804, %add3A_766 : i32
    %jit3A_806 = arith.constant 1 : i32
    %jit3A_807 = arith.constant 0 : i32
    %select_n3A_808 = arith.select %eq3A_805, %jit3A_806, %jit3A_807 : i32
    %or3A_809 = arith.ori %or3A_802, %select_n3A_808 : i32
    %slice3A_810 = vector.extract_strided_slice %get3A_31 {offsets = [6], sizes = [1], strides = [1]} : vector<16xi32> to vector<1xi32>
    %squeeze3A_811 = vector.extract %slice3A_810[0] : i32 from vector<1xi32>
    %eq3A_812 = arith.cmpi eq, %squeeze3A_811, %add3A_766 : i32
    %jit3A_813 = arith.constant 1 : i32
    %jit3A_814 = arith.constant 0 : i32
    %select_n3A_815 = arith.select %eq3A_812, %jit3A_813, %jit3A_814 : i32
    %or3A_816 = arith.ori %or3A_809, %select_n3A_815 : i32
    %slice3A_817 = vector.extract_strided_slice %get3A_31 {offsets = [7], sizes = [1], strides = [1]} : vector<16xi32> to vector<1xi32>
    %squeeze3A_818 = vector.extract %slice3A_817[0] : i32 from vector<1xi32>
    %eq3A_819 = arith.cmpi eq, %squeeze3A_818, %add3A_766 : i32
    %jit3A_820 = arith.constant 1 : i32
    %jit3A_821 = arith.constant 0 : i32
    %select_n3A_822 = arith.select %eq3A_819, %jit3A_820, %jit3A_821 : i32
    %or3A_823 = arith.ori %or3A_816, %select_n3A_822 : i32
    %broadcast_in_dim3A_824 = vector.broadcast %or3A_823 : i32 to vector<16xi32>
    %swap3A_825 = arith.constant 1024 : index
    %swap3A_826 = tpu.vector_load %arg5[%swap3A_825] {strides = array<i32>} : memref<2048xi32, #tpu.memory_space<vmem>>, vector<16xi32>,
    %swap3A_827 = vector.shape_cast %swap3A_826 : vector<16xi32> to vector<16xi32>
    %swap3A_828 = vector.shape_cast %broadcast_in_dim3A_824 : vector<16xi32> to vector<16xi32>
    tpu.vector_store %arg5[%swap3A_825], %swap3A_828 {strides = array<i32>} : memref<2048xi32, #tpu.memory_space<vmem>>, vector<16xi32>,
    %swap3A_829 = arith.constant 1040 : index
    %swap3A_830 = tpu.vector_load %arg5[%swap3A_829] {strides = array<i32>} : memref<2048xi32, #tpu.memory_space<vmem>>, vector<16xi32>,
    %swap3A_831 = vector.shape_cast %swap3A_830 : vector<16xi32> to vector<16xi32>
    %swap3A_832 = vector.shape_cast %broadcast_in_dim3A_824 : vector<16xi32> to vector<16xi32>
    tpu.vector_store %arg5[%swap3A_829], %swap3A_832 {strides = array<i32>} : memref<2048xi32, #tpu.memory_space<vmem>>, vector<16xi32>,
    %swap3A_833 = arith.constant 1056 : index
    %swap3A_834 = tpu.vector_load %arg5[%swap3A_833] {strides = array<i32>} : memref<2048xi32, #tpu.memory_space<vmem>>, vector<16xi32>,
    %swap3A_835 = vector.shape_cast %swap3A_834 : vector<16xi32> to vector<16xi32>
    %swap3A_836 = vector.shape_cast %broadcast_in_dim3A_824 : vector<16xi32> to vector<16xi32>
    tpu.vector_store %arg5[%swap3A_833], %swap3A_836 {strides = array<i32>} : memref<2048xi32, #tpu.memory_space<vmem>>, vector<16xi32>,
    %swap3A_837 = arith.constant 1072 : index
    %swap3A_838 = tpu.vector_load %arg5[%swap3A_837] {strides = array<i32>} : memref<2048xi32, #tpu.memory_space<vmem>>, vector<16xi32>,
    %swap3A_839 = vector.shape_cast %swap3A_838 : vector<16xi32> to vector<16xi32>
    %swap3A_840 = vector.shape_cast %broadcast_in_dim3A_824 : vector<16xi32> to vector<16xi32>
    tpu.vector_store %arg5[%swap3A_837], %swap3A_840 {strides = array<i32>} : memref<2048xi32, #tpu.memory_space<vmem>>, vector<16xi32>,
    %swap3A_841 = arith.constant 1088 : index
    %swap3A_842 = tpu.vector_load %arg5[%swap3A_841] {strides = array<i32>} : memref<2048xi32, #tpu.memory_space<vmem>>, vector<16xi32>,
    %swap3A_843 = vector.shape_cast %swap3A_842 : vector<16xi32> to vector<16xi32>
    %swap3A_844 = vector.shape_cast %broadcast_in_dim3A_824 : vector<16xi32> to vector<16xi32>
    tpu.vector_store %arg5[%swap3A_841], %swap3A_844 {strides = array<i32>} : memref<2048xi32, #tpu.memory_space<vmem>>, vector<16xi32>,
    %swap3A_845 = arith.constant 1104 : index
    %swap3A_846 = tpu.vector_load %arg5[%swap3A_845] {strides = array<i32>} : memref<2048xi32, #tpu.memory_space<vmem>>, vector<16xi32>,
    %swap3A_847 = vector.shape_cast %swap3A_846 : vector<16xi32> to vector<16xi32>
    %swap3A_848 = vector.shape_cast %broadcast_in_dim3A_824 : vector<16xi32> to vector<16xi32>
    tpu.vector_store %arg5[%swap3A_845], %swap3A_848 {strides = array<i32>} : memref<2048xi32, #tpu.memory_space<vmem>>, vector<16xi32>,
    %swap3A_849 = arith.constant 1120 : index
    %swap3A_850 = tpu.vector_load %arg5[%swap3A_849] {strides = array<i32>} : memref<2048xi32, #tpu.memory_space<vmem>>, vector<16xi32>,
    %swap3A_851 = vector.shape_cast %swap3A_850 : vector<16xi32> to vector<16xi32>
    %swap3A_852 = vector.shape_cast %broadcast_in_dim3A_824 : vector<16xi32> to vector<16xi32>
    tpu.vector_store %arg5[%swap3A_849], %swap3A_852 {strides = array<i32>} : memref<2048xi32, #tpu.memory_space<vmem>>, vector<16xi32>,
    %swap3A_853 = arith.constant 1136 : index
    %swap3A_854 = tpu.vector_load %arg5[%swap3A_853] {strides = array<i32>} : memref<2048xi32, #tpu.memory_space<vmem>>, vector<16xi32>,
    %swap3A_855 = vector.shape_cast %swap3A_854 : vector<16xi32> to vector<16xi32>
    %swap3A_856 = vector.shape_cast %broadcast_in_dim3A_824 : vector<16xi32> to vector<16xi32>
    tpu.vector_store %arg5[%swap3A_853], %swap3A_856 {strides = array<i32>} : memref<2048xi32, #tpu.memory_space<vmem>>, vector<16xi32>,
    %add3A_857 = arith.constant 9 : i32
    %add3A_858 = arith.addi %mul3A_33, %add3A_857 : i32
    %slice3A_859 = vector.extract_strided_slice %get3A_31 {offsets = [0], sizes = [1], strides = [1]} : vector<16xi32> to vector<1xi32>
    %squeeze3A_860 = vector.extract %slice3A_859[0] : i32 from vector<1xi32>
    %eq3A_861 = arith.cmpi eq, %squeeze3A_860, %add3A_858 : i32
    %jit3A_862 = arith.constant 1 : i32
    %jit3A_863 = arith.constant 0 : i32
    %select_n3A_864 = arith.select %eq3A_861, %jit3A_862, %jit3A_863 : i32
    %or3A_865 = arith.constant 0 : i32
    %or3A_866 = arith.ori %or3A_865, %select_n3A_864 : i32
    %slice3A_867 = vector.extract_strided_slice %get3A_31 {offsets = [1], sizes = [1], strides = [1]} : vector<16xi32> to vector<1xi32>
    %squeeze3A_868 = vector.extract %slice3A_867[0] : i32 from vector<1xi32>
    %eq3A_869 = arith.cmpi eq, %squeeze3A_868, %add3A_858 : i32
    %jit3A_870 = arith.constant 1 : i32
    %jit3A_871 = arith.constant 0 : i32
    %select_n3A_872 = arith.select %eq3A_869, %jit3A_870, %jit3A_871 : i32
    %or3A_873 = arith.ori %or3A_866, %select_n3A_872 : i32
    %slice3A_874 = vector.extract_strided_slice %get3A_31 {offsets = [2], sizes = [1], strides = [1]} : vector<16xi32> to vector<1xi32>
    %squeeze3A_875 = vector.extract %slice3A_874[0] : i32 from vector<1xi32>
    %eq3A_876 = arith.cmpi eq, %squeeze3A_875, %add3A_858 : i32
    %jit3A_877 = arith.constant 1 : i32
    %jit3A_878 = arith.constant 0 : i32
    %select_n3A_879 = arith.select %eq3A_876, %jit3A_877, %jit3A_878 : i32
    %or3A_880 = arith.ori %or3A_873, %select_n3A_879 : i32
    %slice3A_881 = vector.extract_strided_slice %get3A_31 {offsets = [3], sizes = [1], strides = [1]} : vector<16xi32> to vector<1xi32>
    %squeeze3A_882 = vector.extract %slice3A_881[0] : i32 from vector<1xi32>
    %eq3A_883 = arith.cmpi eq, %squeeze3A_882, %add3A_858 : i32
    %jit3A_884 = arith.constant 1 : i32
    %jit3A_885 = arith.constant 0 : i32
    %select_n3A_886 = arith.select %eq3A_883, %jit3A_884, %jit3A_885 : i32
    %or3A_887 = arith.ori %or3A_880, %select_n3A_886 : i32
    %slice3A_888 = vector.extract_strided_slice %get3A_31 {offsets = [4], sizes = [1], strides = [1]} : vector<16xi32> to vector<1xi32>
    %squeeze3A_889 = vector.extract %slice3A_888[0] : i32 from vector<1xi32>
    %eq3A_890 = arith.cmpi eq, %squeeze3A_889, %add3A_858 : i32
    %jit3A_891 = arith.constant 1 : i32
    %jit3A_892 = arith.constant 0 : i32
    %select_n3A_893 = arith.select %eq3A_890, %jit3A_891, %jit3A_892 : i32
    %or3A_894 = arith.ori %or3A_887, %select_n3A_893 : i32
    %slice3A_895 = vector.extract_strided_slice %get3A_31 {offsets = [5], sizes = [1], strides = [1]} : vector<16xi32> to vector<1xi32>
    %squeeze3A_896 = vector.extract %slice3A_895[0] : i32 from vector<1xi32>
    %eq3A_897 = arith.cmpi eq, %squeeze3A_896, %add3A_858 : i32
    %jit3A_898 = arith.constant 1 : i32
    %jit3A_899 = arith.constant 0 : i32
    %select_n3A_900 = arith.select %eq3A_897, %jit3A_898, %jit3A_899 : i32
    %or3A_901 = arith.ori %or3A_894, %select_n3A_900 : i32
    %slice3A_902 = vector.extract_strided_slice %get3A_31 {offsets = [6], sizes = [1], strides = [1]} : vector<16xi32> to vector<1xi32>
    %squeeze3A_903 = vector.extract %slice3A_902[0] : i32 from vector<1xi32>
    %eq3A_904 = arith.cmpi eq, %squeeze3A_903, %add3A_858 : i32
    %jit3A_905 = arith.constant 1 : i32
    %jit3A_906 = arith.constant 0 : i32
    %select_n3A_907 = arith.select %eq3A_904, %jit3A_905, %jit3A_906 : i32
    %or3A_908 = arith.ori %or3A_901, %select_n3A_907 : i32
    %slice3A_909 = vector.extract_strided_slice %get3A_31 {offsets = [7], sizes = [1], strides = [1]} : vector<16xi32> to vector<1xi32>
    %squeeze3A_910 = vector.extract %slice3A_909[0] : i32 from vector<1xi32>
    %eq3A_911 = arith.cmpi eq, %squeeze3A_910, %add3A_858 : i32
    %jit3A_912 = arith.constant 1 : i32
    %jit3A_913 = arith.constant 0 : i32
    %select_n3A_914 = arith.select %eq3A_911, %jit3A_912, %jit3A_913 : i32
    %or3A_915 = arith.ori %or3A_908, %select_n3A_914 : i32
    %broadcast_in_dim3A_916 = vector.broadcast %or3A_915 : i32 to vector<16xi32>
    %swap3A_917 = arith.constant 1152 : index
    %swap3A_918 = tpu.vector_load %arg5[%swap3A_917] {strides = array<i32>} : memref<2048xi32, #tpu.memory_space<vmem>>, vector<16xi32>,
    %swap3A_919 = vector.shape_cast %swap3A_918 : vector<16xi32> to vector<16xi32>
    %swap3A_920 = vector.shape_cast %broadcast_in_dim3A_916 : vector<16xi32> to vector<16xi32>
    tpu.vector_store %arg5[%swap3A_917], %swap3A_920 {strides = array<i32>} : memref<2048xi32, #tpu.memory_space<vmem>>, vector<16xi32>,
    %swap3A_921 = arith.constant 1168 : index
    %swap3A_922 = tpu.vector_load %arg5[%swap3A_921] {strides = array<i32>} : memref<2048xi32, #tpu.memory_space<vmem>>, vector<16xi32>,
    %swap3A_923 = vector.shape_cast %swap3A_922 : vector<16xi32> to vector<16xi32>
    %swap3A_924 = vector.shape_cast %broadcast_in_dim3A_916 : vector<16xi32> to vector<16xi32>
    tpu.vector_store %arg5[%swap3A_921], %swap3A_924 {strides = array<i32>} : memref<2048xi32, #tpu.memory_space<vmem>>, vector<16xi32>,
    %swap3A_925 = arith.constant 1184 : index
    %swap3A_926 = tpu.vector_load %arg5[%swap3A_925] {strides = array<i32>} : memref<2048xi32, #tpu.memory_space<vmem>>, vector<16xi32>,
    %swap3A_927 = vector.shape_cast %swap3A_926 : vector<16xi32> to vector<16xi32>
    %swap3A_928 = vector.shape_cast %broadcast_in_dim3A_916 : vector<16xi32> to vector<16xi32>
    tpu.vector_store %arg5[%swap3A_925], %swap3A_928 {strides = array<i32>} : memref<2048xi32, #tpu.memory_space<vmem>>, vector<16xi32>,
    %swap3A_929 = arith.constant 1200 : index
    %swap3A_930 = tpu.vector_load %arg5[%swap3A_929] {strides = array<i32>} : memref<2048xi32, #tpu.memory_space<vmem>>, vector<16xi32>,
    %swap3A_931 = vector.shape_cast %swap3A_930 : vector<16xi32> to vector<16xi32>
    %swap3A_932 = vector.shape_cast %broadcast_in_dim3A_916 : vector<16xi32> to vector<16xi32>
    tpu.vector_store %arg5[%swap3A_929], %swap3A_932 {strides = array<i32>} : memref<2048xi32, #tpu.memory_space<vmem>>, vector<16xi32>,
    %swap3A_933 = arith.constant 1216 : index
    %swap3A_934 = tpu.vector_load %arg5[%swap3A_933] {strides = array<i32>} : memref<2048xi32, #tpu.memory_space<vmem>>, vector<16xi32>,
    %swap3A_935 = vector.shape_cast %swap3A_934 : vector<16xi32> to vector<16xi32>
    %swap3A_936 = vector.shape_cast %broadcast_in_dim3A_916 : vector<16xi32> to vector<16xi32>
    tpu.vector_store %arg5[%swap3A_933], %swap3A_936 {strides = array<i32>} : memref<2048xi32, #tpu.memory_space<vmem>>, vector<16xi32>,
    %swap3A_937 = arith.constant 1232 : index
    %swap3A_938 = tpu.vector_load %arg5[%swap3A_937] {strides = array<i32>} : memref<2048xi32, #tpu.memory_space<vmem>>, vector<16xi32>,
    %swap3A_939 = vector.shape_cast %swap3A_938 : vector<16xi32> to vector<16xi32>
    %swap3A_940 = vector.shape_cast %broadcast_in_dim3A_916 : vector<16xi32> to vector<16xi32>
    tpu.vector_store %arg5[%swap3A_937], %swap3A_940 {strides = array<i32>} : memref<2048xi32, #tpu.memory_space<vmem>>, vector<16xi32>,
    %swap3A_941 = arith.constant 1248 : index
    %swap3A_942 = tpu.vector_load %arg5[%swap3A_941] {strides = array<i32>} : memref<2048xi32, #tpu.memory_space<vmem>>, vector<16xi32>,
    %swap3A_943 = vector.shape_cast %swap3A_942 : vector<16xi32> to vector<16xi32>
    %swap3A_944 = vector.shape_cast %broadcast_in_dim3A_916 : vector<16xi32> to vector<16xi32>
    tpu.vector_store %arg5[%swap3A_941], %swap3A_944 {strides = array<i32>} : memref<2048xi32, #tpu.memory_space<vmem>>, vector<16xi32>,
    %swap3A_945 = arith.constant 1264 : index
    %swap3A_946 = tpu.vector_load %arg5[%swap3A_945] {strides = array<i32>} : memref<2048xi32, #tpu.memory_space<vmem>>, vector<16xi32>,
    %swap3A_947 = vector.shape_cast %swap3A_946 : vector<16xi32> to vector<16xi32>
    %swap3A_948 = vector.shape_cast %broadcast_in_dim3A_916 : vector<16xi32> to vector<16xi32>
    tpu.vector_store %arg5[%swap3A_945], %swap3A_948 {strides = array<i32>} : memref<2048xi32, #tpu.memory_space<vmem>>, vector<16xi32>,
    %add3A_949 = arith.constant 10 : i32
    %add3A_950 = arith.addi %mul3A_33, %add3A_949 : i32
    %slice3A_951 = vector.extract_strided_slice %get3A_31 {offsets = [0], sizes = [1], strides = [1]} : vector<16xi32> to vector<1xi32>
    %squeeze3A_952 = vector.extract %slice3A_951[0] : i32 from vector<1xi32>
    %eq3A_953 = arith.cmpi eq, %squeeze3A_952, %add3A_950 : i32
    %jit3A_954 = arith.constant 1 : i32
    %jit3A_955 = arith.constant 0 : i32
    %select_n3A_956 = arith.select %eq3A_953, %jit3A_954, %jit3A_955 : i32
    %or3A_957 = arith.constant 0 : i32
    %or3A_958 = arith.ori %or3A_957, %select_n3A_956 : i32
    %slice3A_959 = vector.extract_strided_slice %get3A_31 {offsets = [1], sizes = [1], strides = [1]} : vector<16xi32> to vector<1xi32>
    %squeeze3A_960 = vector.extract %slice3A_959[0] : i32 from vector<1xi32>
    %eq3A_961 = arith.cmpi eq, %squeeze3A_960, %add3A_950 : i32
    %jit3A_962 = arith.constant 1 : i32
    %jit3A_963 = arith.constant 0 : i32
    %select_n3A_964 = arith.select %eq3A_961, %jit3A_962, %jit3A_963 : i32
    %or3A_965 = arith.ori %or3A_958, %select_n3A_964 : i32
    %slice3A_966 = vector.extract_strided_slice %get3A_31 {offsets = [2], sizes = [1], strides = [1]} : vector<16xi32> to vector<1xi32>
    %squeeze3A_967 = vector.extract %slice3A_966[0] : i32 from vector<1xi32>
    %eq3A_968 = arith.cmpi eq, %squeeze3A_967, %add3A_950 : i32
    %jit3A_969 = arith.constant 1 : i32
    %jit3A_970 = arith.constant 0 : i32
    %select_n3A_971 = arith.select %eq3A_968, %jit3A_969, %jit3A_970 : i32
    %or3A_972 = arith.ori %or3A_965, %select_n3A_971 : i32
    %slice3A_973 = vector.extract_strided_slice %get3A_31 {offsets = [3], sizes = [1], strides = [1]} : vector<16xi32> to vector<1xi32>
    %squeeze3A_974 = vector.extract %slice3A_973[0] : i32 from vector<1xi32>
    %eq3A_975 = arith.cmpi eq, %squeeze3A_974, %add3A_950 : i32
    %jit3A_976 = arith.constant 1 : i32
    %jit3A_977 = arith.constant 0 : i32
    %select_n3A_978 = arith.select %eq3A_975, %jit3A_976, %jit3A_977 : i32
    %or3A_979 = arith.ori %or3A_972, %select_n3A_978 : i32
    %slice3A_980 = vector.extract_strided_slice %get3A_31 {offsets = [4], sizes = [1], strides = [1]} : vector<16xi32> to vector<1xi32>
    %squeeze3A_981 = vector.extract %slice3A_980[0] : i32 from vector<1xi32>
    %eq3A_982 = arith.cmpi eq, %squeeze3A_981, %add3A_950 : i32
    %jit3A_983 = arith.constant 1 : i32
    %jit3A_984 = arith.constant 0 : i32
    %select_n3A_985 = arith.select %eq3A_982, %jit3A_983, %jit3A_984 : i32
    %or3A_986 = arith.ori %or3A_979, %select_n3A_985 : i32
    %slice3A_987 = vector.extract_strided_slice %get3A_31 {offsets = [5], sizes = [1], strides = [1]} : vector<16xi32> to vector<1xi32>
    %squeeze3A_988 = vector.extract %slice3A_987[0] : i32 from vector<1xi32>
    %eq3A_989 = arith.cmpi eq, %squeeze3A_988, %add3A_950 : i32
    %jit3A_990 = arith.constant 1 : i32
    %jit3A_991 = arith.constant 0 : i32
    %select_n3A_992 = arith.select %eq3A_989, %jit3A_990, %jit3A_991 : i32
    %or3A_993 = arith.ori %or3A_986, %select_n3A_992 : i32
    %slice3A_994 = vector.extract_strided_slice %get3A_31 {offsets = [6], sizes = [1], strides = [1]} : vector<16xi32> to vector<1xi32>
    %squeeze3A_995 = vector.extract %slice3A_994[0] : i32 from vector<1xi32>
    %eq3A_996 = arith.cmpi eq, %squeeze3A_995, %add3A_950 : i32
    %jit3A_997 = arith.constant 1 : i32
    %jit3A_998 = arith.constant 0 : i32
    %select_n3A_999 = arith.select %eq3A_996, %jit3A_997, %jit3A_998 : i32
    %or3A_1000 = arith.ori %or3A_993, %select_n3A_999 : i32
    %slice3A_1001 = vector.extract_strided_slice %get3A_31 {offsets = [7], sizes = [1], strides = [1]} : vector<16xi32> to vector<1xi32>
    %squeeze3A_1002 = vector.extract %slice3A_1001[0] : i32 from vector<1xi32>
    %eq3A_1003 = arith.cmpi eq, %squeeze3A_1002, %add3A_950 : i32
    %jit3A_1004 = arith.constant 1 : i32
    %jit3A_1005 = arith.constant 0 : i32
    %select_n3A_1006 = arith.select %eq3A_1003, %jit3A_1004, %jit3A_1005 : i32
    %or3A_1007 = arith.ori %or3A_1000, %select_n3A_1006 : i32
    %broadcast_in_dim3A_1008 = vector.broadcast %or3A_1007 : i32 to vector<16xi32>
    %swap3A_1009 = arith.constant 1280 : index
    %swap3A_1010 = tpu.vector_load %arg5[%swap3A_1009] {strides = array<i32>} : memref<2048xi32, #tpu.memory_space<vmem>>, vector<16xi32>,
    %swap3A_1011 = vector.shape_cast %swap3A_1010 : vector<16xi32> to vector<16xi32>
    %swap3A_1012 = vector.shape_cast %broadcast_in_dim3A_1008 : vector<16xi32> to vector<16xi32>
    tpu.vector_store %arg5[%swap3A_1009], %swap3A_1012 {strides = array<i32>} : memref<2048xi32, #tpu.memory_space<vmem>>, vector<16xi32>,
    %swap3A_1013 = arith.constant 1296 : index
    %swap3A_1014 = tpu.vector_load %arg5[%swap3A_1013] {strides = array<i32>} : memref<2048xi32, #tpu.memory_space<vmem>>, vector<16xi32>,
    %swap3A_1015 = vector.shape_cast %swap3A_1014 : vector<16xi32> to vector<16xi32>
    %swap3A_1016 = vector.shape_cast %broadcast_in_dim3A_1008 : vector<16xi32> to vector<16xi32>
    tpu.vector_store %arg5[%swap3A_1013], %swap3A_1016 {strides = array<i32>} : memref<2048xi32, #tpu.memory_space<vmem>>, vector<16xi32>,
    %swap3A_1017 = arith.constant 1312 : index
    %swap3A_1018 = tpu.vector_load %arg5[%swap3A_1017] {strides = array<i32>} : memref<2048xi32, #tpu.memory_space<vmem>>, vector<16xi32>,
    %swap3A_1019 = vector.shape_cast %swap3A_1018 : vector<16xi32> to vector<16xi32>
    %swap3A_1020 = vector.shape_cast %broadcast_in_dim3A_1008 : vector<16xi32> to vector<16xi32>
    tpu.vector_store %arg5[%swap3A_1017], %swap3A_1020 {strides = array<i32>} : memref<2048xi32, #tpu.memory_space<vmem>>, vector<16xi32>,
    %swap3A_1021 = arith.constant 1328 : index
    %swap3A_1022 = tpu.vector_load %arg5[%swap3A_1021] {strides = array<i32>} : memref<2048xi32, #tpu.memory_space<vmem>>, vector<16xi32>,
    %swap3A_1023 = vector.shape_cast %swap3A_1022 : vector<16xi32> to vector<16xi32>
    %swap3A_1024 = vector.shape_cast %broadcast_in_dim3A_1008 : vector<16xi32> to vector<16xi32>
    tpu.vector_store %arg5[%swap3A_1021], %swap3A_1024 {strides = array<i32>} : memref<2048xi32, #tpu.memory_space<vmem>>, vector<16xi32>,
    %swap3A_1025 = arith.constant 1344 : index
    %swap3A_1026 = tpu.vector_load %arg5[%swap3A_1025] {strides = array<i32>} : memref<2048xi32, #tpu.memory_space<vmem>>, vector<16xi32>,
    %swap3A_1027 = vector.shape_cast %swap3A_1026 : vector<16xi32> to vector<16xi32>
    %swap3A_1028 = vector.shape_cast %broadcast_in_dim3A_1008 : vector<16xi32> to vector<16xi32>
    tpu.vector_store %arg5[%swap3A_1025], %swap3A_1028 {strides = array<i32>} : memref<2048xi32, #tpu.memory_space<vmem>>, vector<16xi32>,
    %swap3A_1029 = arith.constant 1360 : index
    %swap3A_1030 = tpu.vector_load %arg5[%swap3A_1029] {strides = array<i32>} : memref<2048xi32, #tpu.memory_space<vmem>>, vector<16xi32>,
    %swap3A_1031 = vector.shape_cast %swap3A_1030 : vector<16xi32> to vector<16xi32>
    %swap3A_1032 = vector.shape_cast %broadcast_in_dim3A_1008 : vector<16xi32> to vector<16xi32>
    tpu.vector_store %arg5[%swap3A_1029], %swap3A_1032 {strides = array<i32>} : memref<2048xi32, #tpu.memory_space<vmem>>, vector<16xi32>,
    %swap3A_1033 = arith.constant 1376 : index
    %swap3A_1034 = tpu.vector_load %arg5[%swap3A_1033] {strides = array<i32>} : memref<2048xi32, #tpu.memory_space<vmem>>, vector<16xi32>,
    %swap3A_1035 = vector.shape_cast %swap3A_1034 : vector<16xi32> to vector<16xi32>
    %swap3A_1036 = vector.shape_cast %broadcast_in_dim3A_1008 : vector<16xi32> to vector<16xi32>
    tpu.vector_store %arg5[%swap3A_1033], %swap3A_1036 {strides = array<i32>} : memref<2048xi32, #tpu.memory_space<vmem>>, vector<16xi32>,
    %swap3A_1037 = arith.constant 1392 : index
    %swap3A_1038 = tpu.vector_load %arg5[%swap3A_1037] {strides = array<i32>} : memref<2048xi32, #tpu.memory_space<vmem>>, vector<16xi32>,
    %swap3A_1039 = vector.shape_cast %swap3A_1038 : vector<16xi32> to vector<16xi32>
    %swap3A_1040 = vector.shape_cast %broadcast_in_dim3A_1008 : vector<16xi32> to vector<16xi32>
    tpu.vector_store %arg5[%swap3A_1037], %swap3A_1040 {strides = array<i32>} : memref<2048xi32, #tpu.memory_space<vmem>>, vector<16xi32>,
    %add3A_1041 = arith.constant 11 : i32
    %add3A_1042 = arith.addi %mul3A_33, %add3A_1041 : i32
    %slice3A_1043 = vector.extract_strided_slice %get3A_31 {offsets = [0], sizes = [1], strides = [1]} : vector<16xi32> to vector<1xi32>
    %squeeze3A_1044 = vector.extract %slice3A_1043[0] : i32 from vector<1xi32>
    %eq3A_1045 = arith.cmpi eq, %squeeze3A_1044, %add3A_1042 : i32
    %jit3A_1046 = arith.constant 1 : i32
    %jit3A_1047 = arith.constant 0 : i32
    %select_n3A_1048 = arith.select %eq3A_1045, %jit3A_1046, %jit3A_1047 : i32
    %or3A_1049 = arith.constant 0 : i32
    %or3A_1050 = arith.ori %or3A_1049, %select_n3A_1048 : i32
    %slice3A_1051 = vector.extract_strided_slice %get3A_31 {offsets = [1], sizes = [1], strides = [1]} : vector<16xi32> to vector<1xi32>
    %squeeze3A_1052 = vector.extract %slice3A_1051[0] : i32 from vector<1xi32>
    %eq3A_1053 = arith.cmpi eq, %squeeze3A_1052, %add3A_1042 : i32
    %jit3A_1054 = arith.constant 1 : i32
    %jit3A_1055 = arith.constant 0 : i32
    %select_n3A_1056 = arith.select %eq3A_1053, %jit3A_1054, %jit3A_1055 : i32
    %or3A_1057 = arith.ori %or3A_1050, %select_n3A_1056 : i32
    %slice3A_1058 = vector.extract_strided_slice %get3A_31 {offsets = [2], sizes = [1], strides = [1]} : vector<16xi32> to vector<1xi32>
    %squeeze3A_1059 = vector.extract %slice3A_1058[0] : i32 from vector<1xi32>
    %eq3A_1060 = arith.cmpi eq, %squeeze3A_1059, %add3A_1042 : i32
    %jit3A_1061 = arith.constant 1 : i32
    %jit3A_1062 = arith.constant 0 : i32
    %select_n3A_1063 = arith.select %eq3A_1060, %jit3A_1061, %jit3A_1062 : i32
    %or3A_1064 = arith.ori %or3A_1057, %select_n3A_1063 : i32
    %slice3A_1065 = vector.extract_strided_slice %get3A_31 {offsets = [3], sizes = [1], strides = [1]} : vector<16xi32> to vector<1xi32>
    %squeeze3A_1066 = vector.extract %slice3A_1065[0] : i32 from vector<1xi32>
    %eq3A_1067 = arith.cmpi eq, %squeeze3A_1066, %add3A_1042 : i32
    %jit3A_1068 = arith.constant 1 : i32
    %jit3A_1069 = arith.constant 0 : i32
    %select_n3A_1070 = arith.select %eq3A_1067, %jit3A_1068, %jit3A_1069 : i32
    %or3A_1071 = arith.ori %or3A_1064, %select_n3A_1070 : i32
    %slice3A_1072 = vector.extract_strided_slice %get3A_31 {offsets = [4], sizes = [1], strides = [1]} : vector<16xi32> to vector<1xi32>
    %squeeze3A_1073 = vector.extract %slice3A_1072[0] : i32 from vector<1xi32>
    %eq3A_1074 = arith.cmpi eq, %squeeze3A_1073, %add3A_1042 : i32
    %jit3A_1075 = arith.constant 1 : i32
    %jit3A_1076 = arith.constant 0 : i32
    %select_n3A_1077 = arith.select %eq3A_1074, %jit3A_1075, %jit3A_1076 : i32
    %or3A_1078 = arith.ori %or3A_1071, %select_n3A_1077 : i32
    %slice3A_1079 = vector.extract_strided_slice %get3A_31 {offsets = [5], sizes = [1], strides = [1]} : vector<16xi32> to vector<1xi32>
    %squeeze3A_1080 = vector.extract %slice3A_1079[0] : i32 from vector<1xi32>
    %eq3A_1081 = arith.cmpi eq, %squeeze3A_1080, %add3A_1042 : i32
    %jit3A_1082 = arith.constant 1 : i32
    %jit3A_1083 = arith.constant 0 : i32
    %select_n3A_1084 = arith.select %eq3A_1081, %jit3A_1082, %jit3A_1083 : i32
    %or3A_1085 = arith.ori %or3A_1078, %select_n3A_1084 : i32
    %slice3A_1086 = vector.extract_strided_slice %get3A_31 {offsets = [6], sizes = [1], strides = [1]} : vector<16xi32> to vector<1xi32>
    %squeeze3A_1087 = vector.extract %slice3A_1086[0] : i32 from vector<1xi32>
    %eq3A_1088 = arith.cmpi eq, %squeeze3A_1087, %add3A_1042 : i32
    %jit3A_1089 = arith.constant 1 : i32
    %jit3A_1090 = arith.constant 0 : i32
    %select_n3A_1091 = arith.select %eq3A_1088, %jit3A_1089, %jit3A_1090 : i32
    %or3A_1092 = arith.ori %or3A_1085, %select_n3A_1091 : i32
    %slice3A_1093 = vector.extract_strided_slice %get3A_31 {offsets = [7], sizes = [1], strides = [1]} : vector<16xi32> to vector<1xi32>
    %squeeze3A_1094 = vector.extract %slice3A_1093[0] : i32 from vector<1xi32>
    %eq3A_1095 = arith.cmpi eq, %squeeze3A_1094, %add3A_1042 : i32
    %jit3A_1096 = arith.constant 1 : i32
    %jit3A_1097 = arith.constant 0 : i32
    %select_n3A_1098 = arith.select %eq3A_1095, %jit3A_1096, %jit3A_1097 : i32
    %or3A_1099 = arith.ori %or3A_1092, %select_n3A_1098 : i32
    %broadcast_in_dim3A_1100 = vector.broadcast %or3A_1099 : i32 to vector<16xi32>
    %swap3A_1101 = arith.constant 1408 : index
    %swap3A_1102 = tpu.vector_load %arg5[%swap3A_1101] {strides = array<i32>} : memref<2048xi32, #tpu.memory_space<vmem>>, vector<16xi32>,
    %swap3A_1103 = vector.shape_cast %swap3A_1102 : vector<16xi32> to vector<16xi32>
    %swap3A_1104 = vector.shape_cast %broadcast_in_dim3A_1100 : vector<16xi32> to vector<16xi32>
    tpu.vector_store %arg5[%swap3A_1101], %swap3A_1104 {strides = array<i32>} : memref<2048xi32, #tpu.memory_space<vmem>>, vector<16xi32>,
    %swap3A_1105 = arith.constant 1424 : index
    %swap3A_1106 = tpu.vector_load %arg5[%swap3A_1105] {strides = array<i32>} : memref<2048xi32, #tpu.memory_space<vmem>>, vector<16xi32>,
    %swap3A_1107 = vector.shape_cast %swap3A_1106 : vector<16xi32> to vector<16xi32>
    %swap3A_1108 = vector.shape_cast %broadcast_in_dim3A_1100 : vector<16xi32> to vector<16xi32>
    tpu.vector_store %arg5[%swap3A_1105], %swap3A_1108 {strides = array<i32>} : memref<2048xi32, #tpu.memory_space<vmem>>, vector<16xi32>,
    %swap3A_1109 = arith.constant 1440 : index
    %swap3A_1110 = tpu.vector_load %arg5[%swap3A_1109] {strides = array<i32>} : memref<2048xi32, #tpu.memory_space<vmem>>, vector<16xi32>,
    %swap3A_1111 = vector.shape_cast %swap3A_1110 : vector<16xi32> to vector<16xi32>
    %swap3A_1112 = vector.shape_cast %broadcast_in_dim3A_1100 : vector<16xi32> to vector<16xi32>
    tpu.vector_store %arg5[%swap3A_1109], %swap3A_1112 {strides = array<i32>} : memref<2048xi32, #tpu.memory_space<vmem>>, vector<16xi32>,
    %swap3A_1113 = arith.constant 1456 : index
    %swap3A_1114 = tpu.vector_load %arg5[%swap3A_1113] {strides = array<i32>} : memref<2048xi32, #tpu.memory_space<vmem>>, vector<16xi32>,
    %swap3A_1115 = vector.shape_cast %swap3A_1114 : vector<16xi32> to vector<16xi32>
    %swap3A_1116 = vector.shape_cast %broadcast_in_dim3A_1100 : vector<16xi32> to vector<16xi32>
    tpu.vector_store %arg5[%swap3A_1113], %swap3A_1116 {strides = array<i32>} : memref<2048xi32, #tpu.memory_space<vmem>>, vector<16xi32>,
    %swap3A_1117 = arith.constant 1472 : index
    %swap3A_1118 = tpu.vector_load %arg5[%swap3A_1117] {strides = array<i32>} : memref<2048xi32, #tpu.memory_space<vmem>>, vector<16xi32>,
    %swap3A_1119 = vector.shape_cast %swap3A_1118 : vector<16xi32> to vector<16xi32>
    %swap3A_1120 = vector.shape_cast %broadcast_in_dim3A_1100 : vector<16xi32> to vector<16xi32>
    tpu.vector_store %arg5[%swap3A_1117], %swap3A_1120 {strides = array<i32>} : memref<2048xi32, #tpu.memory_space<vmem>>, vector<16xi32>,
    %swap3A_1121 = arith.constant 1488 : index
    %swap3A_1122 = tpu.vector_load %arg5[%swap3A_1121] {strides = array<i32>} : memref<2048xi32, #tpu.memory_space<vmem>>, vector<16xi32>,
    %swap3A_1123 = vector.shape_cast %swap3A_1122 : vector<16xi32> to vector<16xi32>
    %swap3A_1124 = vector.shape_cast %broadcast_in_dim3A_1100 : vector<16xi32> to vector<16xi32>
    tpu.vector_store %arg5[%swap3A_1121], %swap3A_1124 {strides = array<i32>} : memref<2048xi32, #tpu.memory_space<vmem>>, vector<16xi32>,
    %swap3A_1125 = arith.constant 1504 : index
    %swap3A_1126 = tpu.vector_load %arg5[%swap3A_1125] {strides = array<i32>} : memref<2048xi32, #tpu.memory_space<vmem>>, vector<16xi32>,
    %swap3A_1127 = vector.shape_cast %swap3A_1126 : vector<16xi32> to vector<16xi32>
    %swap3A_1128 = vector.shape_cast %broadcast_in_dim3A_1100 : vector<16xi32> to vector<16xi32>
    tpu.vector_store %arg5[%swap3A_1125], %swap3A_1128 {strides = array<i32>} : memref<2048xi32, #tpu.memory_space<vmem>>, vector<16xi32>,
    %swap3A_1129 = arith.constant 1520 : index
    %swap3A_1130 = tpu.vector_load %arg5[%swap3A_1129] {strides = array<i32>} : memref<2048xi32, #tpu.memory_space<vmem>>, vector<16xi32>,
    %swap3A_1131 = vector.shape_cast %swap3A_1130 : vector<16xi32> to vector<16xi32>
    %swap3A_1132 = vector.shape_cast %broadcast_in_dim3A_1100 : vector<16xi32> to vector<16xi32>
    tpu.vector_store %arg5[%swap3A_1129], %swap3A_1132 {strides = array<i32>} : memref<2048xi32, #tpu.memory_space<vmem>>, vector<16xi32>,
    %add3A_1133 = arith.constant 12 : i32
    %add3A_1134 = arith.addi %mul3A_33, %add3A_1133 : i32
    %slice3A_1135 = vector.extract_strided_slice %get3A_31 {offsets = [0], sizes = [1], strides = [1]} : vector<16xi32> to vector<1xi32>
    %squeeze3A_1136 = vector.extract %slice3A_1135[0] : i32 from vector<1xi32>
    %eq3A_1137 = arith.cmpi eq, %squeeze3A_1136, %add3A_1134 : i32
    %jit3A_1138 = arith.constant 1 : i32
    %jit3A_1139 = arith.constant 0 : i32
    %select_n3A_1140 = arith.select %eq3A_1137, %jit3A_1138, %jit3A_1139 : i32
    %or3A_1141 = arith.constant 0 : i32
    %or3A_1142 = arith.ori %or3A_1141, %select_n3A_1140 : i32
    %slice3A_1143 = vector.extract_strided_slice %get3A_31 {offsets = [1], sizes = [1], strides = [1]} : vector<16xi32> to vector<1xi32>
    %squeeze3A_1144 = vector.extract %slice3A_1143[0] : i32 from vector<1xi32>
    %eq3A_1145 = arith.cmpi eq, %squeeze3A_1144, %add3A_1134 : i32
    %jit3A_1146 = arith.constant 1 : i32
    %jit3A_1147 = arith.constant 0 : i32
    %select_n3A_1148 = arith.select %eq3A_1145, %jit3A_1146, %jit3A_1147 : i32
    %or3A_1149 = arith.ori %or3A_1142, %select_n3A_1148 : i32
    %slice3A_1150 = vector.extract_strided_slice %get3A_31 {offsets = [2], sizes = [1], strides = [1]} : vector<16xi32> to vector<1xi32>
    %squeeze3A_1151 = vector.extract %slice3A_1150[0] : i32 from vector<1xi32>
    %eq3A_1152 = arith.cmpi eq, %squeeze3A_1151, %add3A_1134 : i32
    %jit3A_1153 = arith.constant 1 : i32
    %jit3A_1154 = arith.constant 0 : i32
    %select_n3A_1155 = arith.select %eq3A_1152, %jit3A_1153, %jit3A_1154 : i32
    %or3A_1156 = arith.ori %or3A_1149, %select_n3A_1155 : i32
    %slice3A_1157 = vector.extract_strided_slice %get3A_31 {offsets = [3], sizes = [1], strides = [1]} : vector<16xi32> to vector<1xi32>
    %squeeze3A_1158 = vector.extract %slice3A_1157[0] : i32 from vector<1xi32>
    %eq3A_1159 = arith.cmpi eq, %squeeze3A_1158, %add3A_1134 : i32
    %jit3A_1160 = arith.constant 1 : i32
    %jit3A_1161 = arith.constant 0 : i32
    %select_n3A_1162 = arith.select %eq3A_1159, %jit3A_1160, %jit3A_1161 : i32
    %or3A_1163 = arith.ori %or3A_1156, %select_n3A_1162 : i32
    %slice3A_1164 = vector.extract_strided_slice %get3A_31 {offsets = [4], sizes = [1], strides = [1]} : vector<16xi32> to vector<1xi32>
    %squeeze3A_1165 = vector.extract %slice3A_1164[0] : i32 from vector<1xi32>
    %eq3A_1166 = arith.cmpi eq, %squeeze3A_1165, %add3A_1134 : i32
    %jit3A_1167 = arith.constant 1 : i32
    %jit3A_1168 = arith.constant 0 : i32
    %select_n3A_1169 = arith.select %eq3A_1166, %jit3A_1167, %jit3A_1168 : i32
    %or3A_1170 = arith.ori %or3A_1163, %select_n3A_1169 : i32
    %slice3A_1171 = vector.extract_strided_slice %get3A_31 {offsets = [5], sizes = [1], strides = [1]} : vector<16xi32> to vector<1xi32>
    %squeeze3A_1172 = vector.extract %slice3A_1171[0] : i32 from vector<1xi32>
    %eq3A_1173 = arith.cmpi eq, %squeeze3A_1172, %add3A_1134 : i32
    %jit3A_1174 = arith.constant 1 : i32
    %jit3A_1175 = arith.constant 0 : i32
    %select_n3A_1176 = arith.select %eq3A_1173, %jit3A_1174, %jit3A_1175 : i32
    %or3A_1177 = arith.ori %or3A_1170, %select_n3A_1176 : i32
    %slice3A_1178 = vector.extract_strided_slice %get3A_31 {offsets = [6], sizes = [1], strides = [1]} : vector<16xi32> to vector<1xi32>
    %squeeze3A_1179 = vector.extract %slice3A_1178[0] : i32 from vector<1xi32>
    %eq3A_1180 = arith.cmpi eq, %squeeze3A_1179, %add3A_1134 : i32
    %jit3A_1181 = arith.constant 1 : i32
    %jit3A_1182 = arith.constant 0 : i32
    %select_n3A_1183 = arith.select %eq3A_1180, %jit3A_1181, %jit3A_1182 : i32
    %or3A_1184 = arith.ori %or3A_1177, %select_n3A_1183 : i32
    %slice3A_1185 = vector.extract_strided_slice %get3A_31 {offsets = [7], sizes = [1], strides = [1]} : vector<16xi32> to vector<1xi32>
    %squeeze3A_1186 = vector.extract %slice3A_1185[0] : i32 from vector<1xi32>
    %eq3A_1187 = arith.cmpi eq, %squeeze3A_1186, %add3A_1134 : i32
    %jit3A_1188 = arith.constant 1 : i32
    %jit3A_1189 = arith.constant 0 : i32
    %select_n3A_1190 = arith.select %eq3A_1187, %jit3A_1188, %jit3A_1189 : i32
    %or3A_1191 = arith.ori %or3A_1184, %select_n3A_1190 : i32
    %broadcast_in_dim3A_1192 = vector.broadcast %or3A_1191 : i32 to vector<16xi32>
    %swap3A_1193 = arith.constant 1536 : index
    %swap3A_1194 = tpu.vector_load %arg5[%swap3A_1193] {strides = array<i32>} : memref<2048xi32, #tpu.memory_space<vmem>>, vector<16xi32>,
    %swap3A_1195 = vector.shape_cast %swap3A_1194 : vector<16xi32> to vector<16xi32>
    %swap3A_1196 = vector.shape_cast %broadcast_in_dim3A_1192 : vector<16xi32> to vector<16xi32>
    tpu.vector_store %arg5[%swap3A_1193], %swap3A_1196 {strides = array<i32>} : memref<2048xi32, #tpu.memory_space<vmem>>, vector<16xi32>,
    %swap3A_1197 = arith.constant 1552 : index
    %swap3A_1198 = tpu.vector_load %arg5[%swap3A_1197] {strides = array<i32>} : memref<2048xi32, #tpu.memory_space<vmem>>, vector<16xi32>,
    %swap3A_1199 = vector.shape_cast %swap3A_1198 : vector<16xi32> to vector<16xi32>
    %swap3A_1200 = vector.shape_cast %broadcast_in_dim3A_1192 : vector<16xi32> to vector<16xi32>
    tpu.vector_store %arg5[%swap3A_1197], %swap3A_1200 {strides = array<i32>} : memref<2048xi32, #tpu.memory_space<vmem>>, vector<16xi32>,
    %swap3A_1201 = arith.constant 1568 : index
    %swap3A_1202 = tpu.vector_load %arg5[%swap3A_1201] {strides = array<i32>} : memref<2048xi32, #tpu.memory_space<vmem>>, vector<16xi32>,
    %swap3A_1203 = vector.shape_cast %swap3A_1202 : vector<16xi32> to vector<16xi32>
    %swap3A_1204 = vector.shape_cast %broadcast_in_dim3A_1192 : vector<16xi32> to vector<16xi32>
    tpu.vector_store %arg5[%swap3A_1201], %swap3A_1204 {strides = array<i32>} : memref<2048xi32, #tpu.memory_space<vmem>>, vector<16xi32>,
    %swap3A_1205 = arith.constant 1584 : index
    %swap3A_1206 = tpu.vector_load %arg5[%swap3A_1205] {strides = array<i32>} : memref<2048xi32, #tpu.memory_space<vmem>>, vector<16xi32>,
    %swap3A_1207 = vector.shape_cast %swap3A_1206 : vector<16xi32> to vector<16xi32>
    %swap3A_1208 = vector.shape_cast %broadcast_in_dim3A_1192 : vector<16xi32> to vector<16xi32>
    tpu.vector_store %arg5[%swap3A_1205], %swap3A_1208 {strides = array<i32>} : memref<2048xi32, #tpu.memory_space<vmem>>, vector<16xi32>,
    %swap3A_1209 = arith.constant 1600 : index
    %swap3A_1210 = tpu.vector_load %arg5[%swap3A_1209] {strides = array<i32>} : memref<2048xi32, #tpu.memory_space<vmem>>, vector<16xi32>,
    %swap3A_1211 = vector.shape_cast %swap3A_1210 : vector<16xi32> to vector<16xi32>
    %swap3A_1212 = vector.shape_cast %broadcast_in_dim3A_1192 : vector<16xi32> to vector<16xi32>
    tpu.vector_store %arg5[%swap3A_1209], %swap3A_1212 {strides = array<i32>} : memref<2048xi32, #tpu.memory_space<vmem>>, vector<16xi32>,
    %swap3A_1213 = arith.constant 1616 : index
    %swap3A_1214 = tpu.vector_load %arg5[%swap3A_1213] {strides = array<i32>} : memref<2048xi32, #tpu.memory_space<vmem>>, vector<16xi32>,
    %swap3A_1215 = vector.shape_cast %swap3A_1214 : vector<16xi32> to vector<16xi32>
    %swap3A_1216 = vector.shape_cast %broadcast_in_dim3A_1192 : vector<16xi32> to vector<16xi32>
    tpu.vector_store %arg5[%swap3A_1213], %swap3A_1216 {strides = array<i32>} : memref<2048xi32, #tpu.memory_space<vmem>>, vector<16xi32>,
    %swap3A_1217 = arith.constant 1632 : index
    %swap3A_1218 = tpu.vector_load %arg5[%swap3A_1217] {strides = array<i32>} : memref<2048xi32, #tpu.memory_space<vmem>>, vector<16xi32>,
    %swap3A_1219 = vector.shape_cast %swap3A_1218 : vector<16xi32> to vector<16xi32>
    %swap3A_1220 = vector.shape_cast %broadcast_in_dim3A_1192 : vector<16xi32> to vector<16xi32>
    tpu.vector_store %arg5[%swap3A_1217], %swap3A_1220 {strides = array<i32>} : memref<2048xi32, #tpu.memory_space<vmem>>, vector<16xi32>,
    %swap3A_1221 = arith.constant 1648 : index
    %swap3A_1222 = tpu.vector_load %arg5[%swap3A_1221] {strides = array<i32>} : memref<2048xi32, #tpu.memory_space<vmem>>, vector<16xi32>,
    %swap3A_1223 = vector.shape_cast %swap3A_1222 : vector<16xi32> to vector<16xi32>
    %swap3A_1224 = vector.shape_cast %broadcast_in_dim3A_1192 : vector<16xi32> to vector<16xi32>
    tpu.vector_store %arg5[%swap3A_1221], %swap3A_1224 {strides = array<i32>} : memref<2048xi32, #tpu.memory_space<vmem>>, vector<16xi32>,
    %add3A_1225 = arith.constant 13 : i32
    %add3A_1226 = arith.addi %mul3A_33, %add3A_1225 : i32
    %slice3A_1227 = vector.extract_strided_slice %get3A_31 {offsets = [0], sizes = [1], strides = [1]} : vector<16xi32> to vector<1xi32>
    %squeeze3A_1228 = vector.extract %slice3A_1227[0] : i32 from vector<1xi32>
    %eq3A_1229 = arith.cmpi eq, %squeeze3A_1228, %add3A_1226 : i32
    %jit3A_1230 = arith.constant 1 : i32
    %jit3A_1231 = arith.constant 0 : i32
    %select_n3A_1232 = arith.select %eq3A_1229, %jit3A_1230, %jit3A_1231 : i32
    %or3A_1233 = arith.constant 0 : i32
    %or3A_1234 = arith.ori %or3A_1233, %select_n3A_1232 : i32
    %slice3A_1235 = vector.extract_strided_slice %get3A_31 {offsets = [1], sizes = [1], strides = [1]} : vector<16xi32> to vector<1xi32>
    %squeeze3A_1236 = vector.extract %slice3A_1235[0] : i32 from vector<1xi32>
    %eq3A_1237 = arith.cmpi eq, %squeeze3A_1236, %add3A_1226 : i32
    %jit3A_1238 = arith.constant 1 : i32
    %jit3A_1239 = arith.constant 0 : i32
    %select_n3A_1240 = arith.select %eq3A_1237, %jit3A_1238, %jit3A_1239 : i32
    %or3A_1241 = arith.ori %or3A_1234, %select_n3A_1240 : i32
    %slice3A_1242 = vector.extract_strided_slice %get3A_31 {offsets = [2], sizes = [1], strides = [1]} : vector<16xi32> to vector<1xi32>
    %squeeze3A_1243 = vector.extract %slice3A_1242[0] : i32 from vector<1xi32>
    %eq3A_1244 = arith.cmpi eq, %squeeze3A_1243, %add3A_1226 : i32
    %jit3A_1245 = arith.constant 1 : i32
    %jit3A_1246 = arith.constant 0 : i32
    %select_n3A_1247 = arith.select %eq3A_1244, %jit3A_1245, %jit3A_1246 : i32
    %or3A_1248 = arith.ori %or3A_1241, %select_n3A_1247 : i32
    %slice3A_1249 = vector.extract_strided_slice %get3A_31 {offsets = [3], sizes = [1], strides = [1]} : vector<16xi32> to vector<1xi32>
    %squeeze3A_1250 = vector.extract %slice3A_1249[0] : i32 from vector<1xi32>
    %eq3A_1251 = arith.cmpi eq, %squeeze3A_1250, %add3A_1226 : i32
    %jit3A_1252 = arith.constant 1 : i32
    %jit3A_1253 = arith.constant 0 : i32
    %select_n3A_1254 = arith.select %eq3A_1251, %jit3A_1252, %jit3A_1253 : i32
    %or3A_1255 = arith.ori %or3A_1248, %select_n3A_1254 : i32
    %slice3A_1256 = vector.extract_strided_slice %get3A_31 {offsets = [4], sizes = [1], strides = [1]} : vector<16xi32> to vector<1xi32>
    %squeeze3A_1257 = vector.extract %slice3A_1256[0] : i32 from vector<1xi32>
    %eq3A_1258 = arith.cmpi eq, %squeeze3A_1257, %add3A_1226 : i32
    %jit3A_1259 = arith.constant 1 : i32
    %jit3A_1260 = arith.constant 0 : i32
    %select_n3A_1261 = arith.select %eq3A_1258, %jit3A_1259, %jit3A_1260 : i32
    %or3A_1262 = arith.ori %or3A_1255, %select_n3A_1261 : i32
    %slice3A_1263 = vector.extract_strided_slice %get3A_31 {offsets = [5], sizes = [1], strides = [1]} : vector<16xi32> to vector<1xi32>
    %squeeze3A_1264 = vector.extract %slice3A_1263[0] : i32 from vector<1xi32>
    %eq3A_1265 = arith.cmpi eq, %squeeze3A_1264, %add3A_1226 : i32
    %jit3A_1266 = arith.constant 1 : i32
    %jit3A_1267 = arith.constant 0 : i32
    %select_n3A_1268 = arith.select %eq3A_1265, %jit3A_1266, %jit3A_1267 : i32
    %or3A_1269 = arith.ori %or3A_1262, %select_n3A_1268 : i32
    %slice3A_1270 = vector.extract_strided_slice %get3A_31 {offsets = [6], sizes = [1], strides = [1]} : vector<16xi32> to vector<1xi32>
    %squeeze3A_1271 = vector.extract %slice3A_1270[0] : i32 from vector<1xi32>
    %eq3A_1272 = arith.cmpi eq, %squeeze3A_1271, %add3A_1226 : i32
    %jit3A_1273 = arith.constant 1 : i32
    %jit3A_1274 = arith.constant 0 : i32
    %select_n3A_1275 = arith.select %eq3A_1272, %jit3A_1273, %jit3A_1274 : i32
    %or3A_1276 = arith.ori %or3A_1269, %select_n3A_1275 : i32
    %slice3A_1277 = vector.extract_strided_slice %get3A_31 {offsets = [7], sizes = [1], strides = [1]} : vector<16xi32> to vector<1xi32>
    %squeeze3A_1278 = vector.extract %slice3A_1277[0] : i32 from vector<1xi32>
    %eq3A_1279 = arith.cmpi eq, %squeeze3A_1278, %add3A_1226 : i32
    %jit3A_1280 = arith.constant 1 : i32
    %jit3A_1281 = arith.constant 0 : i32
    %select_n3A_1282 = arith.select %eq3A_1279, %jit3A_1280, %jit3A_1281 : i32
    %or3A_1283 = arith.ori %or3A_1276, %select_n3A_1282 : i32
    %broadcast_in_dim3A_1284 = vector.broadcast %or3A_1283 : i32 to vector<16xi32>
    %swap3A_1285 = arith.constant 1664 : index
    %swap3A_1286 = tpu.vector_load %arg5[%swap3A_1285] {strides = array<i32>} : memref<2048xi32, #tpu.memory_space<vmem>>, vector<16xi32>,
    %swap3A_1287 = vector.shape_cast %swap3A_1286 : vector<16xi32> to vector<16xi32>
    %swap3A_1288 = vector.shape_cast %broadcast_in_dim3A_1284 : vector<16xi32> to vector<16xi32>
    tpu.vector_store %arg5[%swap3A_1285], %swap3A_1288 {strides = array<i32>} : memref<2048xi32, #tpu.memory_space<vmem>>, vector<16xi32>,
    %swap3A_1289 = arith.constant 1680 : index
    %swap3A_1290 = tpu.vector_load %arg5[%swap3A_1289] {strides = array<i32>} : memref<2048xi32, #tpu.memory_space<vmem>>, vector<16xi32>,
    %swap3A_1291 = vector.shape_cast %swap3A_1290 : vector<16xi32> to vector<16xi32>
    %swap3A_1292 = vector.shape_cast %broadcast_in_dim3A_1284 : vector<16xi32> to vector<16xi32>
    tpu.vector_store %arg5[%swap3A_1289], %swap3A_1292 {strides = array<i32>} : memref<2048xi32, #tpu.memory_space<vmem>>, vector<16xi32>,
    %swap3A_1293 = arith.constant 1696 : index
    %swap3A_1294 = tpu.vector_load %arg5[%swap3A_1293] {strides = array<i32>} : memref<2048xi32, #tpu.memory_space<vmem>>, vector<16xi32>,
    %swap3A_1295 = vector.shape_cast %swap3A_1294 : vector<16xi32> to vector<16xi32>
    %swap3A_1296 = vector.shape_cast %broadcast_in_dim3A_1284 : vector<16xi32> to vector<16xi32>
    tpu.vector_store %arg5[%swap3A_1293], %swap3A_1296 {strides = array<i32>} : memref<2048xi32, #tpu.memory_space<vmem>>, vector<16xi32>,
    %swap3A_1297 = arith.constant 1712 : index
    %swap3A_1298 = tpu.vector_load %arg5[%swap3A_1297] {strides = array<i32>} : memref<2048xi32, #tpu.memory_space<vmem>>, vector<16xi32>,
    %swap3A_1299 = vector.shape_cast %swap3A_1298 : vector<16xi32> to vector<16xi32>
    %swap3A_1300 = vector.shape_cast %broadcast_in_dim3A_1284 : vector<16xi32> to vector<16xi32>
    tpu.vector_store %arg5[%swap3A_1297], %swap3A_1300 {strides = array<i32>} : memref<2048xi32, #tpu.memory_space<vmem>>, vector<16xi32>,
    %swap3A_1301 = arith.constant 1728 : index
    %swap3A_1302 = tpu.vector_load %arg5[%swap3A_1301] {strides = array<i32>} : memref<2048xi32, #tpu.memory_space<vmem>>, vector<16xi32>,
    %swap3A_1303 = vector.shape_cast %swap3A_1302 : vector<16xi32> to vector<16xi32>
    %swap3A_1304 = vector.shape_cast %broadcast_in_dim3A_1284 : vector<16xi32> to vector<16xi32>
    tpu.vector_store %arg5[%swap3A_1301], %swap3A_1304 {strides = array<i32>} : memref<2048xi32, #tpu.memory_space<vmem>>, vector<16xi32>,
    %swap3A_1305 = arith.constant 1744 : index
    %swap3A_1306 = tpu.vector_load %arg5[%swap3A_1305] {strides = array<i32>} : memref<2048xi32, #tpu.memory_space<vmem>>, vector<16xi32>,
    %swap3A_1307 = vector.shape_cast %swap3A_1306 : vector<16xi32> to vector<16xi32>
    %swap3A_1308 = vector.shape_cast %broadcast_in_dim3A_1284 : vector<16xi32> to vector<16xi32>
    tpu.vector_store %arg5[%swap3A_1305], %swap3A_1308 {strides = array<i32>} : memref<2048xi32, #tpu.memory_space<vmem>>, vector<16xi32>,
    %swap3A_1309 = arith.constant 1760 : index
    %swap3A_1310 = tpu.vector_load %arg5[%swap3A_1309] {strides = array<i32>} : memref<2048xi32, #tpu.memory_space<vmem>>, vector<16xi32>,
    %swap3A_1311 = vector.shape_cast %swap3A_1310 : vector<16xi32> to vector<16xi32>
    %swap3A_1312 = vector.shape_cast %broadcast_in_dim3A_1284 : vector<16xi32> to vector<16xi32>
    tpu.vector_store %arg5[%swap3A_1309], %swap3A_1312 {strides = array<i32>} : memref<2048xi32, #tpu.memory_space<vmem>>, vector<16xi32>,
    %swap3A_1313 = arith.constant 1776 : index
    %swap3A_1314 = tpu.vector_load %arg5[%swap3A_1313] {strides = array<i32>} : memref<2048xi32, #tpu.memory_space<vmem>>, vector<16xi32>,
    %swap3A_1315 = vector.shape_cast %swap3A_1314 : vector<16xi32> to vector<16xi32>
    %swap3A_1316 = vector.shape_cast %broadcast_in_dim3A_1284 : vector<16xi32> to vector<16xi32>
    tpu.vector_store %arg5[%swap3A_1313], %swap3A_1316 {strides = array<i32>} : memref<2048xi32, #tpu.memory_space<vmem>>, vector<16xi32>,
    %add3A_1317 = arith.constant 14 : i32
    %add3A_1318 = arith.addi %mul3A_33, %add3A_1317 : i32
    %slice3A_1319 = vector.extract_strided_slice %get3A_31 {offsets = [0], sizes = [1], strides = [1]} : vector<16xi32> to vector<1xi32>
    %squeeze3A_1320 = vector.extract %slice3A_1319[0] : i32 from vector<1xi32>
    %eq3A_1321 = arith.cmpi eq, %squeeze3A_1320, %add3A_1318 : i32
    %jit3A_1322 = arith.constant 1 : i32
    %jit3A_1323 = arith.constant 0 : i32
    %select_n3A_1324 = arith.select %eq3A_1321, %jit3A_1322, %jit3A_1323 : i32
    %or3A_1325 = arith.constant 0 : i32
    %or3A_1326 = arith.ori %or3A_1325, %select_n3A_1324 : i32
    %slice3A_1327 = vector.extract_strided_slice %get3A_31 {offsets = [1], sizes = [1], strides = [1]} : vector<16xi32> to vector<1xi32>
    %squeeze3A_1328 = vector.extract %slice3A_1327[0] : i32 from vector<1xi32>
    %eq3A_1329 = arith.cmpi eq, %squeeze3A_1328, %add3A_1318 : i32
    %jit3A_1330 = arith.constant 1 : i32
    %jit3A_1331 = arith.constant 0 : i32
    %select_n3A_1332 = arith.select %eq3A_1329, %jit3A_1330, %jit3A_1331 : i32
    %or3A_1333 = arith.ori %or3A_1326, %select_n3A_1332 : i32
    %slice3A_1334 = vector.extract_strided_slice %get3A_31 {offsets = [2], sizes = [1], strides = [1]} : vector<16xi32> to vector<1xi32>
    %squeeze3A_1335 = vector.extract %slice3A_1334[0] : i32 from vector<1xi32>
    %eq3A_1336 = arith.cmpi eq, %squeeze3A_1335, %add3A_1318 : i32
    %jit3A_1337 = arith.constant 1 : i32
    %jit3A_1338 = arith.constant 0 : i32
    %select_n3A_1339 = arith.select %eq3A_1336, %jit3A_1337, %jit3A_1338 : i32
    %or3A_1340 = arith.ori %or3A_1333, %select_n3A_1339 : i32
    %slice3A_1341 = vector.extract_strided_slice %get3A_31 {offsets = [3], sizes = [1], strides = [1]} : vector<16xi32> to vector<1xi32>
    %squeeze3A_1342 = vector.extract %slice3A_1341[0] : i32 from vector<1xi32>
    %eq3A_1343 = arith.cmpi eq, %squeeze3A_1342, %add3A_1318 : i32
    %jit3A_1344 = arith.constant 1 : i32
    %jit3A_1345 = arith.constant 0 : i32
    %select_n3A_1346 = arith.select %eq3A_1343, %jit3A_1344, %jit3A_1345 : i32
    %or3A_1347 = arith.ori %or3A_1340, %select_n3A_1346 : i32
    %slice3A_1348 = vector.extract_strided_slice %get3A_31 {offsets = [4], sizes = [1], strides = [1]} : vector<16xi32> to vector<1xi32>
    %squeeze3A_1349 = vector.extract %slice3A_1348[0] : i32 from vector<1xi32>
    %eq3A_1350 = arith.cmpi eq, %squeeze3A_1349, %add3A_1318 : i32
    %jit3A_1351 = arith.constant 1 : i32
    %jit3A_1352 = arith.constant 0 : i32
    %select_n3A_1353 = arith.select %eq3A_1350, %jit3A_1351, %jit3A_1352 : i32
    %or3A_1354 = arith.ori %or3A_1347, %select_n3A_1353 : i32
    %slice3A_1355 = vector.extract_strided_slice %get3A_31 {offsets = [5], sizes = [1], strides = [1]} : vector<16xi32> to vector<1xi32>
    %squeeze3A_1356 = vector.extract %slice3A_1355[0] : i32 from vector<1xi32>
    %eq3A_1357 = arith.cmpi eq, %squeeze3A_1356, %add3A_1318 : i32
    %jit3A_1358 = arith.constant 1 : i32
    %jit3A_1359 = arith.constant 0 : i32
    %select_n3A_1360 = arith.select %eq3A_1357, %jit3A_1358, %jit3A_1359 : i32
    %or3A_1361 = arith.ori %or3A_1354, %select_n3A_1360 : i32
    %slice3A_1362 = vector.extract_strided_slice %get3A_31 {offsets = [6], sizes = [1], strides = [1]} : vector<16xi32> to vector<1xi32>
    %squeeze3A_1363 = vector.extract %slice3A_1362[0] : i32 from vector<1xi32>
    %eq3A_1364 = arith.cmpi eq, %squeeze3A_1363, %add3A_1318 : i32
    %jit3A_1365 = arith.constant 1 : i32
    %jit3A_1366 = arith.constant 0 : i32
    %select_n3A_1367 = arith.select %eq3A_1364, %jit3A_1365, %jit3A_1366 : i32
    %or3A_1368 = arith.ori %or3A_1361, %select_n3A_1367 : i32
    %slice3A_1369 = vector.extract_strided_slice %get3A_31 {offsets = [7], sizes = [1], strides = [1]} : vector<16xi32> to vector<1xi32>
    %squeeze3A_1370 = vector.extract %slice3A_1369[0] : i32 from vector<1xi32>
    %eq3A_1371 = arith.cmpi eq, %squeeze3A_1370, %add3A_1318 : i32
    %jit3A_1372 = arith.constant 1 : i32
    %jit3A_1373 = arith.constant 0 : i32
    %select_n3A_1374 = arith.select %eq3A_1371, %jit3A_1372, %jit3A_1373 : i32
    %or3A_1375 = arith.ori %or3A_1368, %select_n3A_1374 : i32
    %broadcast_in_dim3A_1376 = vector.broadcast %or3A_1375 : i32 to vector<16xi32>
    %swap3A_1377 = arith.constant 1792 : index
    %swap3A_1378 = tpu.vector_load %arg5[%swap3A_1377] {strides = array<i32>} : memref<2048xi32, #tpu.memory_space<vmem>>, vector<16xi32>,
    %swap3A_1379 = vector.shape_cast %swap3A_1378 : vector<16xi32> to vector<16xi32>
    %swap3A_1380 = vector.shape_cast %broadcast_in_dim3A_1376 : vector<16xi32> to vector<16xi32>
    tpu.vector_store %arg5[%swap3A_1377], %swap3A_1380 {strides = array<i32>} : memref<2048xi32, #tpu.memory_space<vmem>>, vector<16xi32>,
    %swap3A_1381 = arith.constant 1808 : index
    %swap3A_1382 = tpu.vector_load %arg5[%swap3A_1381] {strides = array<i32>} : memref<2048xi32, #tpu.memory_space<vmem>>, vector<16xi32>,
    %swap3A_1383 = vector.shape_cast %swap3A_1382 : vector<16xi32> to vector<16xi32>
    %swap3A_1384 = vector.shape_cast %broadcast_in_dim3A_1376 : vector<16xi32> to vector<16xi32>
    tpu.vector_store %arg5[%swap3A_1381], %swap3A_1384 {strides = array<i32>} : memref<2048xi32, #tpu.memory_space<vmem>>, vector<16xi32>,
    %swap3A_1385 = arith.constant 1824 : index
    %swap3A_1386 = tpu.vector_load %arg5[%swap3A_1385] {strides = array<i32>} : memref<2048xi32, #tpu.memory_space<vmem>>, vector<16xi32>,
    %swap3A_1387 = vector.shape_cast %swap3A_1386 : vector<16xi32> to vector<16xi32>
    %swap3A_1388 = vector.shape_cast %broadcast_in_dim3A_1376 : vector<16xi32> to vector<16xi32>
    tpu.vector_store %arg5[%swap3A_1385], %swap3A_1388 {strides = array<i32>} : memref<2048xi32, #tpu.memory_space<vmem>>, vector<16xi32>,
    %swap3A_1389 = arith.constant 1840 : index
    %swap3A_1390 = tpu.vector_load %arg5[%swap3A_1389] {strides = array<i32>} : memref<2048xi32, #tpu.memory_space<vmem>>, vector<16xi32>,
    %swap3A_1391 = vector.shape_cast %swap3A_1390 : vector<16xi32> to vector<16xi32>
    %swap3A_1392 = vector.shape_cast %broadcast_in_dim3A_1376 : vector<16xi32> to vector<16xi32>
    tpu.vector_store %arg5[%swap3A_1389], %swap3A_1392 {strides = array<i32>} : memref<2048xi32, #tpu.memory_space<vmem>>, vector<16xi32>,
    %swap3A_1393 = arith.constant 1856 : index
    %swap3A_1394 = tpu.vector_load %arg5[%swap3A_1393] {strides = array<i32>} : memref<2048xi32, #tpu.memory_space<vmem>>, vector<16xi32>,
    %swap3A_1395 = vector.shape_cast %swap3A_1394 : vector<16xi32> to vector<16xi32>
    %swap3A_1396 = vector.shape_cast %broadcast_in_dim3A_1376 : vector<16xi32> to vector<16xi32>
    tpu.vector_store %arg5[%swap3A_1393], %swap3A_1396 {strides = array<i32>} : memref<2048xi32, #tpu.memory_space<vmem>>, vector<16xi32>,
    %swap3A_1397 = arith.constant 1872 : index
    %swap3A_1398 = tpu.vector_load %arg5[%swap3A_1397] {strides = array<i32>} : memref<2048xi32, #tpu.memory_space<vmem>>, vector<16xi32>,
    %swap3A_1399 = vector.shape_cast %swap3A_1398 : vector<16xi32> to vector<16xi32>
    %swap3A_1400 = vector.shape_cast %broadcast_in_dim3A_1376 : vector<16xi32> to vector<16xi32>
    tpu.vector_store %arg5[%swap3A_1397], %swap3A_1400 {strides = array<i32>} : memref<2048xi32, #tpu.memory_space<vmem>>, vector<16xi32>,
    %swap3A_1401 = arith.constant 1888 : index
    %swap3A_1402 = tpu.vector_load %arg5[%swap3A_1401] {strides = array<i32>} : memref<2048xi32, #tpu.memory_space<vmem>>, vector<16xi32>,
    %swap3A_1403 = vector.shape_cast %swap3A_1402 : vector<16xi32> to vector<16xi32>
    %swap3A_1404 = vector.shape_cast %broadcast_in_dim3A_1376 : vector<16xi32> to vector<16xi32>
    tpu.vector_store %arg5[%swap3A_1401], %swap3A_1404 {strides = array<i32>} : memref<2048xi32, #tpu.memory_space<vmem>>, vector<16xi32>,
    %swap3A_1405 = arith.constant 1904 : index
    %swap3A_1406 = tpu.vector_load %arg5[%swap3A_1405] {strides = array<i32>} : memref<2048xi32, #tpu.memory_space<vmem>>, vector<16xi32>,
    %swap3A_1407 = vector.shape_cast %swap3A_1406 : vector<16xi32> to vector<16xi32>
    %swap3A_1408 = vector.shape_cast %broadcast_in_dim3A_1376 : vector<16xi32> to vector<16xi32>
    tpu.vector_store %arg5[%swap3A_1405], %swap3A_1408 {strides = array<i32>} : memref<2048xi32, #tpu.memory_space<vmem>>, vector<16xi32>,
    %add3A_1409 = arith.constant 15 : i32
    %add3A_1410 = arith.addi %mul3A_33, %add3A_1409 : i32
    %slice3A_1411 = vector.extract_strided_slice %get3A_31 {offsets = [0], sizes = [1], strides = [1]} : vector<16xi32> to vector<1xi32>
    %squeeze3A_1412 = vector.extract %slice3A_1411[0] : i32 from vector<1xi32>
    %eq3A_1413 = arith.cmpi eq, %squeeze3A_1412, %add3A_1410 : i32
    %jit3A_1414 = arith.constant 1 : i32
    %jit3A_1415 = arith.constant 0 : i32
    %select_n3A_1416 = arith.select %eq3A_1413, %jit3A_1414, %jit3A_1415 : i32
    %or3A_1417 = arith.constant 0 : i32
    %or3A_1418 = arith.ori %or3A_1417, %select_n3A_1416 : i32
    %slice3A_1419 = vector.extract_strided_slice %get3A_31 {offsets = [1], sizes = [1], strides = [1]} : vector<16xi32> to vector<1xi32>
    %squeeze3A_1420 = vector.extract %slice3A_1419[0] : i32 from vector<1xi32>
    %eq3A_1421 = arith.cmpi eq, %squeeze3A_1420, %add3A_1410 : i32
    %jit3A_1422 = arith.constant 1 : i32
    %jit3A_1423 = arith.constant 0 : i32
    %select_n3A_1424 = arith.select %eq3A_1421, %jit3A_1422, %jit3A_1423 : i32
    %or3A_1425 = arith.ori %or3A_1418, %select_n3A_1424 : i32
    %slice3A_1426 = vector.extract_strided_slice %get3A_31 {offsets = [2], sizes = [1], strides = [1]} : vector<16xi32> to vector<1xi32>
    %squeeze3A_1427 = vector.extract %slice3A_1426[0] : i32 from vector<1xi32>
    %eq3A_1428 = arith.cmpi eq, %squeeze3A_1427, %add3A_1410 : i32
    %jit3A_1429 = arith.constant 1 : i32
    %jit3A_1430 = arith.constant 0 : i32
    %select_n3A_1431 = arith.select %eq3A_1428, %jit3A_1429, %jit3A_1430 : i32
    %or3A_1432 = arith.ori %or3A_1425, %select_n3A_1431 : i32
    %slice3A_1433 = vector.extract_strided_slice %get3A_31 {offsets = [3], sizes = [1], strides = [1]} : vector<16xi32> to vector<1xi32>
    %squeeze3A_1434 = vector.extract %slice3A_1433[0] : i32 from vector<1xi32>
    %eq3A_1435 = arith.cmpi eq, %squeeze3A_1434, %add3A_1410 : i32
    %jit3A_1436 = arith.constant 1 : i32
    %jit3A_1437 = arith.constant 0 : i32
    %select_n3A_1438 = arith.select %eq3A_1435, %jit3A_1436, %jit3A_1437 : i32
    %or3A_1439 = arith.ori %or3A_1432, %select_n3A_1438 : i32
    %slice3A_1440 = vector.extract_strided_slice %get3A_31 {offsets = [4], sizes = [1], strides = [1]} : vector<16xi32> to vector<1xi32>
    %squeeze3A_1441 = vector.extract %slice3A_1440[0] : i32 from vector<1xi32>
    %eq3A_1442 = arith.cmpi eq, %squeeze3A_1441, %add3A_1410 : i32
    %jit3A_1443 = arith.constant 1 : i32
    %jit3A_1444 = arith.constant 0 : i32
    %select_n3A_1445 = arith.select %eq3A_1442, %jit3A_1443, %jit3A_1444 : i32
    %or3A_1446 = arith.ori %or3A_1439, %select_n3A_1445 : i32
    %slice3A_1447 = vector.extract_strided_slice %get3A_31 {offsets = [5], sizes = [1], strides = [1]} : vector<16xi32> to vector<1xi32>
    %squeeze3A_1448 = vector.extract %slice3A_1447[0] : i32 from vector<1xi32>
    %eq3A_1449 = arith.cmpi eq, %squeeze3A_1448, %add3A_1410 : i32
    %jit3A_1450 = arith.constant 1 : i32
    %jit3A_1451 = arith.constant 0 : i32
    %select_n3A_1452 = arith.select %eq3A_1449, %jit3A_1450, %jit3A_1451 : i32
    %or3A_1453 = arith.ori %or3A_1446, %select_n3A_1452 : i32
    %slice3A_1454 = vector.extract_strided_slice %get3A_31 {offsets = [6], sizes = [1], strides = [1]} : vector<16xi32> to vector<1xi32>
    %squeeze3A_1455 = vector.extract %slice3A_1454[0] : i32 from vector<1xi32>
    %eq3A_1456 = arith.cmpi eq, %squeeze3A_1455, %add3A_1410 : i32
    %jit3A_1457 = arith.constant 1 : i32
    %jit3A_1458 = arith.constant 0 : i32
    %select_n3A_1459 = arith.select %eq3A_1456, %jit3A_1457, %jit3A_1458 : i32
    %or3A_1460 = arith.ori %or3A_1453, %select_n3A_1459 : i32
    %slice3A_1461 = vector.extract_strided_slice %get3A_31 {offsets = [7], sizes = [1], strides = [1]} : vector<16xi32> to vector<1xi32>
    %squeeze3A_1462 = vector.extract %slice3A_1461[0] : i32 from vector<1xi32>
    %eq3A_1463 = arith.cmpi eq, %squeeze3A_1462, %add3A_1410 : i32
    %jit3A_1464 = arith.constant 1 : i32
    %jit3A_1465 = arith.constant 0 : i32
    %select_n3A_1466 = arith.select %eq3A_1463, %jit3A_1464, %jit3A_1465 : i32
    %or3A_1467 = arith.ori %or3A_1460, %select_n3A_1466 : i32
    %broadcast_in_dim3A_1468 = vector.broadcast %or3A_1467 : i32 to vector<16xi32>
    %swap3A_1469 = arith.constant 1920 : index
    %swap3A_1470 = tpu.vector_load %arg5[%swap3A_1469] {strides = array<i32>} : memref<2048xi32, #tpu.memory_space<vmem>>, vector<16xi32>,
    %swap3A_1471 = vector.shape_cast %swap3A_1470 : vector<16xi32> to vector<16xi32>
    %swap3A_1472 = vector.shape_cast %broadcast_in_dim3A_1468 : vector<16xi32> to vector<16xi32>
    tpu.vector_store %arg5[%swap3A_1469], %swap3A_1472 {strides = array<i32>} : memref<2048xi32, #tpu.memory_space<vmem>>, vector<16xi32>,
    %swap3A_1473 = arith.constant 1936 : index
    %swap3A_1474 = tpu.vector_load %arg5[%swap3A_1473] {strides = array<i32>} : memref<2048xi32, #tpu.memory_space<vmem>>, vector<16xi32>,
    %swap3A_1475 = vector.shape_cast %swap3A_1474 : vector<16xi32> to vector<16xi32>
    %swap3A_1476 = vector.shape_cast %broadcast_in_dim3A_1468 : vector<16xi32> to vector<16xi32>
    tpu.vector_store %arg5[%swap3A_1473], %swap3A_1476 {strides = array<i32>} : memref<2048xi32, #tpu.memory_space<vmem>>, vector<16xi32>,
    %swap3A_1477 = arith.constant 1952 : index
    %swap3A_1478 = tpu.vector_load %arg5[%swap3A_1477] {strides = array<i32>} : memref<2048xi32, #tpu.memory_space<vmem>>, vector<16xi32>,
    %swap3A_1479 = vector.shape_cast %swap3A_1478 : vector<16xi32> to vector<16xi32>
    %swap3A_1480 = vector.shape_cast %broadcast_in_dim3A_1468 : vector<16xi32> to vector<16xi32>
    tpu.vector_store %arg5[%swap3A_1477], %swap3A_1480 {strides = array<i32>} : memref<2048xi32, #tpu.memory_space<vmem>>, vector<16xi32>,
    %swap3A_1481 = arith.constant 1968 : index
    %swap3A_1482 = tpu.vector_load %arg5[%swap3A_1481] {strides = array<i32>} : memref<2048xi32, #tpu.memory_space<vmem>>, vector<16xi32>,
    %swap3A_1483 = vector.shape_cast %swap3A_1482 : vector<16xi32> to vector<16xi32>
    %swap3A_1484 = vector.shape_cast %broadcast_in_dim3A_1468 : vector<16xi32> to vector<16xi32>
    tpu.vector_store %arg5[%swap3A_1481], %swap3A_1484 {strides = array<i32>} : memref<2048xi32, #tpu.memory_space<vmem>>, vector<16xi32>,
    %swap3A_1485 = arith.constant 1984 : index
    %swap3A_1486 = tpu.vector_load %arg5[%swap3A_1485] {strides = array<i32>} : memref<2048xi32, #tpu.memory_space<vmem>>, vector<16xi32>,
    %swap3A_1487 = vector.shape_cast %swap3A_1486 : vector<16xi32> to vector<16xi32>
    %swap3A_1488 = vector.shape_cast %broadcast_in_dim3A_1468 : vector<16xi32> to vector<16xi32>
    tpu.vector_store %arg5[%swap3A_1485], %swap3A_1488 {strides = array<i32>} : memref<2048xi32, #tpu.memory_space<vmem>>, vector<16xi32>,
    %swap3A_1489 = arith.constant 2000 : index
    %swap3A_1490 = tpu.vector_load %arg5[%swap3A_1489] {strides = array<i32>} : memref<2048xi32, #tpu.memory_space<vmem>>, vector<16xi32>,
    %swap3A_1491 = vector.shape_cast %swap3A_1490 : vector<16xi32> to vector<16xi32>
    %swap3A_1492 = vector.shape_cast %broadcast_in_dim3A_1468 : vector<16xi32> to vector<16xi32>
    tpu.vector_store %arg5[%swap3A_1489], %swap3A_1492 {strides = array<i32>} : memref<2048xi32, #tpu.memory_space<vmem>>, vector<16xi32>,
    %swap3A_1493 = arith.constant 2016 : index
    %swap3A_1494 = tpu.vector_load %arg5[%swap3A_1493] {strides = array<i32>} : memref<2048xi32, #tpu.memory_space<vmem>>, vector<16xi32>,
    %swap3A_1495 = vector.shape_cast %swap3A_1494 : vector<16xi32> to vector<16xi32>
    %swap3A_1496 = vector.shape_cast %broadcast_in_dim3A_1468 : vector<16xi32> to vector<16xi32>
    tpu.vector_store %arg5[%swap3A_1493], %swap3A_1496 {strides = array<i32>} : memref<2048xi32, #tpu.memory_space<vmem>>, vector<16xi32>,
    %swap3A_1497 = arith.constant 2032 : index
    %swap3A_1498 = tpu.vector_load %arg5[%swap3A_1497] {strides = array<i32>} : memref<2048xi32, #tpu.memory_space<vmem>>, vector<16xi32>,
    %swap3A_1499 = vector.shape_cast %swap3A_1498 : vector<16xi32> to vector<16xi32>
    %swap3A_1500 = vector.shape_cast %broadcast_in_dim3A_1468 : vector<16xi32> to vector<16xi32>
    tpu.vector_store %arg5[%swap3A_1497], %swap3A_1500 {strides = array<i32>} : memref<2048xi32, #tpu.memory_space<vmem>>, vector<16xi32>,
    %mul3A_1501 = arith.constant 2048 : i32
    %mul3A_1502 = arith.muli %arg1, %mul3A_1501 : i32
    "tpu.region"() ({
      %run_scoped3A = tpu.sem_alloc : memref<!tpu.dma_semaphore, #tpu.memory_space<semaphore_mem>>
      %dma_start3A = tpu.memref_slice %arg3[%mul3A_1502] : memref<32768xi32, #tpu.memory_space<hbm>> -> memref<2048xi32, #tpu.memory_space<hbm>>
      %dma_start3A_1503 = tpu.memref_slice %arg3[%mul3A_1502] : memref<32768xi32, #tpu.memory_space<hbm>> -> memref<2048xi32, #tpu.memory_space<hbm>>
      tpu.enqueue_dma source(%arg5 : memref<2048xi32, #tpu.memory_space<vmem>>) target(%dma_start3A_1503 : memref<2048xi32, #tpu.memory_space<hbm>>) target_semaphore(%run_scoped3A : memref<!tpu.dma_semaphore, #tpu.memory_space<semaphore_mem>>)
      %dma_wait3A = tpu.memref_slice %arg3[%mul3A_1502] : memref<32768xi32, #tpu.memory_space<hbm>> -> memref<2048xi32, #tpu.memory_space<hbm>>
      %dma_wait3A_1504 = tpu.memref_slice %arg3[%mul3A_1502] : memref<32768xi32, #tpu.memory_space<hbm>> -> memref<2048xi32, #tpu.memory_space<hbm>>
      tpu.wait_dma2 semaphore(%run_scoped3A : memref<!tpu.dma_semaphore, #tpu.memory_space<semaphore_mem>>) src(%arg5 : memref<2048xi32, #tpu.memory_space<vmem>>) dst(%dma_wait3A_1504 : memref<2048xi32, #tpu.memory_space<hbm>>)
      tpu.yield
    }) : () -> ()
    return
  }
}

module attributes {stable_mosaic.version = 14 : i64} {
  func.func @_bcast_kernel(%arg0: i32, %arg1: memref<512x512xf32, #tpu.memory_space<vmem>>, %arg2: memref<8x512x512xf32, #tpu.memory_space<vmem>>) attributes {dimension_semantics = [#tpu.dimension_semantics<arbitrary>], iteration_bounds = array<i64: 8>, scalar_prefetch = 0 : i64, scratch_operands = 0 : i64, tpu.core_type = #tpu.core_type<tc>, window_params = [{transform_indices = @transform_0, window_bounds = array<i64: 512, 512>}, {transform_indices = @transform_1, window_bounds = array<i64: 8, 512, 512>}]} {
    %get3A = arith.constant 0 : index
    %get3A_0 = arith.constant 0 : index
    %get3A_1 = vector.load %arg1[%get3A, %get3A_0] : memref<512x512xf32, #tpu.memory_space<vmem>>, vector<512x512xf32>
    %broadcast_in_dim3A = vector.shape_cast %get3A_1 : vector<512x512xf32> to vector<1x512x512xf32>
    %broadcast_in_dim3A_2 = vector.shape_cast %broadcast_in_dim3A : vector<1x512x512xf32> to vector<1x512x512xf32>
    %broadcast_in_dim3A_3 = vector.broadcast %broadcast_in_dim3A_2 : vector<1x512x512xf32> to vector<8x512x512xf32>
    %swap3A = arith.constant 0 : index
    %swap3A_4 = arith.constant 0 : index
    %swap3A_5 = arith.constant 0 : index
    %swap3A_6 = vector.load %arg2[%swap3A, %swap3A_4, %swap3A_5] : memref<8x512x512xf32, #tpu.memory_space<vmem>>, vector<8x512x512xf32>
    tpu.vector_store %arg2[%swap3A, %swap3A_4, %swap3A_5], %broadcast_in_dim3A_3 {strides = array<i32>} : memref<8x512x512xf32, #tpu.memory_space<vmem>>, vector<8x512x512xf32>,
    return
  }
  func.func @transform_0(%arg0: i32) -> (i32, i32) {
    %c0_i32 = arith.constant 0 : i32
    %c0_i32_0 = arith.constant 0 : i32
    return %arg0, %c0_i32 : i32, i32
  }
  func.func @transform_1(%arg0: i32) -> (i32, i32, i32) {
    %c0_i32 = arith.constant 0 : i32
    %c0_i32_0 = arith.constant 0 : i32
    %c0_i32_1 = arith.constant 0 : i32
    return %c0_i32, %arg0, %c0_i32_0 : i32, i32, i32
  }
}

</mosaic_0001>

<sc_bundles>
// kernel: kernel.4.cloned.1.call-start
scs
__scs_entry_jumppad:
0x0: {  	(pc) =	sbr.rel $0x88, $3  }
0x1: {  	(tag) =	ssettag $0x0;
	lr =	simm.s32 $0x1  }
0x2: {  	[smem:$0x3F9F] =	sst lr;
	_ =	strace $0xD0000000  }
0x3: {  	_ = 	snop  }
0x4: {  	_ = 	snop  }
0x5: {  	_ = 	snop  }
0x6: {  	_ = 	snop  }
0x7: {  	_ = 	snop  }
__scs_overlays_trampoline_lowered:
0x8: {  	[smem:$0x3FAE] =	sst s0  }
0x9: {  	[smem:$0x3FAF] =	sst s1  }
0xa: {  	[smem:$0x3FB0] =	sst s2  }
0xb: {  	[smem:$0x3FB1] =	sst s3  }
0xc: {  	[smem:$0x3FB2] =	sst s4  }
0xd: {  	[smem:$0x3FB3] =	sst s5  }
0xe: {  	[smem:$0x3FB4] =	sst s6  }
0xf: {  	[smem:$0x3FB5] =	sst s7  }
0x10: {  	[smem:$0x3FB6] =	sst s8  }
0x11: {  	[smem:$0x3FB7] =	sst s9;
	s0 =	simm.s32 @!p0 $0x0  }
0x12: {  	s1 =	sld [smem:$0x3F9D];
	s0 =	simm.s32 @p0 $0x1  }
0x13: {  	[smem:$0x3FB8] =	sst s0;
	s0 =	simm.s32 @!p1 $0x0  }
0x14: {  	s2 =	sld [smem:$0x3F9C];
	s0 =	simm.s32 @p1 $0x1  }
0x15: {  	[smem:$0x3FB9] =	sst s0;
	s0 =	simm.s32 @!p2 $0x0  }
0x16: {  	s3 =	sld [smem:$0x3FDB];
	s0 =	simm.s32 @p2 $0x1  }
0x17: {  	s4 =	simm.s32 $0x1BF5;
	[smem:$0x3FBB] =	sst s0  }
0x18: {  	s0 =	sld [smem:$0x3F9E];
	_ =	swait.ge [sflag:s4], $0x0  }
0x19: {  	s7 =	sld [smem:$0x3F9F]  }
0x1a: {  	s8 =	sadd.s32 $0xFFFFE003, lr  }
0x1b: {  	s9 =	sadd.s32 $0xFFFFFEF7, lr;
	s5 =	simm.s32 $0xFFFFFFFF;
	p2 =	slt.u32 s8, $0xFFFFF086  }
0x1c: {  	p1 =	slt.u32 s9, $0xF7A;
	s5 =	simm.s32 @!p2 $0x0  }
0x1d: {  	s5 =	simm.s32 @p1 $0x1;
	p0 =	seq.s32 s7, s2  }
0x1e: {  	s7 =	smul.u32 @!p0 $0xF7A, s2;
	p2 =	seq.s32 @!p0 s5, $0x0  }
0x1f: {  	s9 =	smul.u32 $0xF7A, s1;
	s8 =	simm.s32 @!p0 $0x1BF5;
	p2 =	por !p2, p0  }
0x20: {  	[sflag:s8] =	ssyncset.s32 @!p0 $0xFFFFF086;
	s6 =	sadd.s32 @!p0 s3, s7;
	s7 =	simm.s32 @!p0 $0x108  }
0x21: {  	s3 =	sadd.s32 s3, s9;
	s6 =	sadd.s32 @!p0 $0x88, s6;
	s7 =	simm.s32 @p2 $0x1082  }
0x22: {  	[simem:s7], [sflag:s8] =	dma.local @!p0 [hbm:s6], $0xF7A  }
0x23: {  	s9 =	sor.u32 $0xD0000000, s2;
	s6 =	simm.s32 $0x108;
	_ =	swait.ge @!p0 [sflag:s8], $0x0  }
0x24: {  	s3 =	sadd.s32 $0x88, s3;
	s6 =	simm.s32 @!p1 $0x1082;
	[sflag:s4] =	ssyncset.s32 $0xFFFFF086  }
0x25: {  	[simem:s6], [sflag:s4] =	dma.local [hbm:s3], $0xF7A  }
0x26: {  	[smem:$0x3F9F] =	sst s1;
	(tag) =	ssettag s2;
	_ =	strace s9  }
0x27: {  	s1 =	sld [smem:$0x3FAF]  }
0x28: {  	s2 =	sld [smem:$0x3FB0]  }
0x29: {  	s4 =	sld [smem:$0x3FB2]  }
0x2a: {  	p0 =	seq.s32 s5, $0x0;
	s5 =	sld [smem:$0x3FB3]  }
0x2b: {  	s6 =	sld [smem:$0x3FB4]  }
0x2c: {  	s7 =	sld [smem:$0x3FB5]  }
0x2d: {  	s3 =	simm.s32 $0x108;
	s8 =	sld [smem:$0x3FB6]  }
0x2e: {  	s3 =	simm.s32 @!p0 $0x1082;
	s9 =	sld [smem:$0x3FB7]  }
0x2f: {  	lr =	sadd.s32 s0, s3;
	s0 =	sld [smem:$0x3FAE]  }
0x30: {  	s3 =	sld [smem:$0x3FB1]  }
0x31: {  	[smem:$0x3FBA] =	sst s10  }
0x32: {  	s10 =	sld [smem:$0x3FB8];
	_ =	sdelay $0x3  }
0x33: {  	p0 =	seq.s32 s10, $0x1;
	s10 =	sld [smem:$0x3FBA];
	_ =	sdelay $0x3  }
0x34: {  	[smem:$0x3FBA] =	sst s10  }
0x35: {  	s10 =	sld [smem:$0x3FB9];
	_ =	sdelay $0x3  }
0x36: {  	p1 =	seq.s32 s10, $0x1;
	s10 =	sld [smem:$0x3FBA];
	_ =	sdelay $0x3  }
0x37: {  	[smem:$0x3FBA] =	sst s10  }
0x38: {  	s10 =	sld [smem:$0x3FBB]  }
0x39: {  	_ = 	snop;
	(pc) =	sbr.ind lr, $3  }
0x3a: {  	_ = 	snop  }
0x3b: {  	_ = 	snop  }
0x3c: {  	p2 =	seq.s32 s10, $0x1;
	s10 =	sld [smem:$0x3FBA]  }
0x3d: {  	_ =	shalt  }
0x3e: {  	_ =	shalt  }
0x3f: {  	_ =	shalt  }
0x40: {  	_ =	shalt  }
0x41: {  	_ =	shalt  }
0x42: {  	_ =	shalt  }
0x43: {  	_ =	shalt  }
0x44: {  	_ =	shalt  }
0x45: {  	_ =	shalt  }
0x46: {  	_ =	shalt  }
0x47: {  	_ =	shalt  }
0x48: {  	_ =	shalt  }
0x49: {  	_ =	shalt  }
0x4a: {  	_ =	shalt  }
0x4b: {  	_ =	shalt  }
0x4c: {  	_ =	shalt  }
0x4d: {  	_ =	shalt  }
0x4e: {  	_ =	shalt  }
0x4f: {  	_ =	shalt  }
0x50: {  	_ =	shalt  }
0x51: {  	_ =	shalt  }
0x52: {  	_ =	shalt  }
0x53: {  	_ =	shalt  }
0x54: {  	_ =	shalt  }
0x55: {  	_ =	shalt  }
0x56: {  	_ =	shalt  }
0x57: {  	_ =	shalt  }
0x58: {  	_ =	shalt  }
0x59: {  	_ =	shalt  }
0x5a: {  	_ =	shalt  }
0x5b: {  	_ =	shalt  }
0x5c: {  	_ =	shalt  }
0x5d: {  	_ =	shalt  }
0x5e: {  	_ =	shalt  }
0x5f: {  	_ =	shalt  }
0x60: {  	_ =	shalt  }
0x61: {  	_ =	shalt  }
0x62: {  	_ =	shalt  }
0x63: {  	_ =	shalt  }
0x64: {  	_ =	shalt  }
0x65: {  	_ =	shalt  }
0x66: {  	_ =	shalt  }
0x67: {  	_ =	shalt  }
0x68: {  	_ =	shalt  }
0x69: {  	_ =	shalt  }
0x6a: {  	_ =	shalt  }
0x6b: {  	_ =	shalt  }
0x6c: {  	_ =	shalt  }
0x6d: {  	_ =	shalt  }
0x6e: {  	_ =	shalt  }
0x6f: {  	_ =	shalt  }
0x70: {  	_ =	shalt  }
0x71: {  	_ =	shalt  }
0x72: {  	_ =	shalt  }
0x73: {  	_ =	shalt  }
0x74: {  	_ =	shalt  }
0x75: {  	_ =	shalt  }
0x76: {  	_ =	shalt  }
0x77: {  	_ =	shalt  }
0x78: {  	_ =	shalt  }
0x79: {  	_ =	shalt  }
0x7a: {  	_ =	shalt  }
0x7b: {  	_ =	shalt  }
0x7c: {  	_ =	shalt  }
0x7d: {  	_ =	shalt  }
0x7e: {  	_ =	shalt  }
0x7f: {  	_ =	shalt  }
0x80: {  	_ =	shalt  }
0x81: {  	_ =	shalt  }
0x82: {  	_ =	shalt  }
0x83: {  	_ =	shalt  }
0x84: {  	_ =	shalt  }
0x85: {  	_ =	shalt  }
0x86: {  	_ =	shalt  }
0x87: {  	_ =	shalt  }
.Lfunc_end0:
.L_simem_size_0:
called_computation_lowered:
.L_overlay_start_0:
0x88: {  	s0 =	sld [smem:$0x3FD9]  }
0x89: {  	s1 =	sld [smem:$0x3FFE];
	_ =	sdelay $0x3  }
0x8a: {  	s0 =	sadd.s32 s1, s0  }
0x8b: {  	[smem:$0x3FC6] =	sst s0  }
0x8c: {  	_ = 	snop  }
0x8d: {  	s0 =	sld [smem:$0x3FD0];
	_ =	sdelay $0x2  }
0x8e: {  	s13 =	simm.s32 $0xA;
	s2 =	simm.s32 $0x10  }
0x8f: {  	[smem:s2], [sflag:s13] =	dma.local [hbm:s0], $0x1  }
0x90: {  	_ =	swait.eq [sflag:s13], $0x1  }
0x91: {  	[sflag:s13] =	ssyncset.done $0x0  }
0x92: {  	[sflag:s13] =	ssyncadd.s32 $0xFFFFFFFF  }
0x93: {  	s14 =	sld [smem:$0x11];
	(tm) =	ssettm $0x1  }
0x94: {  	s15 =	sld [smem:$0x3FFB];
	_ =	sdelay $0x3  }
0x95: {  	_ =	strace s15  }
0x96: {  	s1 =	sld [smem:$0x3FFC];
	_ =	sdelay $0x3  }
0x97: {  	_ =	strace s1  }
0x98: {  	s1 =	sld [smem:$0x3FFD];
	_ =	sdelay $0x3  }
0x99: {  	_ =	strace s1  }
0x9a: {  	_ =	strace $0x8FFFFFFF  }
0x9b: {  	s16 =	sld [smem:$0x3FDB];
	_ =	sdelay $0x1  }
0x9c: {  	s17 =	simm.s32 $_scs_section_size  }
0x9d: {  	s3 =	simm.s32 $_size__tile_overlayer_lowered;
	s4 =	simm.s32 $_tile_overlayer_lowered  }
0x9e: {  	s20 =	simm.s32 $0x1BFF;
	s19 =	sshll.u32 s4, $0x1;
	s1 =	sadd.s32 s17, s16  }
0x9f: {  	s5 =	simm.s32 $0x0;
	s18 =	sshll.u32 s3, $0x1;
	s3 =	sadd.s32 s19, s1  }
0xa0: {  	[timem:s5], [sflag:s20] =	dma.local [hbm:s3], s18  }
0xa1: {  	_ =	swait.ge [sflag:s20], s18  }
0xa2: {  	s2 =	ssub.s32 $0x0, s18;
	[sflag:s20] =	ssyncset.done $0x0  }
0xa3: {  	[sflag:s20] =	ssyncadd.s32 s2;
	_ =	sdelay $0x1  }
0xa4: {  	s21 =	simm.s32 $0x1B8B  }
0xa5: {  	_ =	swait.ge [sflag:s21], $0x1  }
0xa6: {  	[sflag:s21] =	ssyncset.done $0x0  }
0xa7: {  	s23 =	simm.s32 $0x1B8E;
	s22 =	sld [smem:$0x3FFE];
	[sflag:s21] =	ssyncadd.s32 $0xFFFFFFFF  }
0xa8: {  	s24 =	simm.s32 $execute0_lowered;
	[smem:$0x3FD2] =	sst s23  }
0xa9: {  	s3 =	sshll.u32 s24, $0x1;
	_ =	strace $0x80000046;
	[dreg:$0x1] =	wrdreg $0xFFFFFFFF  }
0xaa: {  	s25 =	simm.s32 $_size_execute0_lowered;
	s1 =	sadd.s32 s1, s3;
	[dreg:$0x0] =	wrdreg $0x0  }
0xab: {  	s3 =	sshll.u32 s25, $0x1;
	[dreg:$0x2] =	wrdreg s1  }
0xac: {  	[dreg:$0x3] =	wrdreg s3  }
0xad: {  	[dreg:$0x4] =	wrdreg $0xC0  }
0xae: {  	_ =	task [dreg:s5], $0x5FFFF  }
0xaf: {  	[dreg:$0x1] =	wrdreg $0xFFFFFFFF  }
0xb0: {  	[dreg:$0x0] =	wrdreg $0x60  }
0xb1: {  	[dreg:$0x2] =	wrdreg s14  }
0xb2: {  	[dreg:$0x3] =	wrdreg s22  }
0xb3: {  	[dreg:$0x4] =	wrdreg $0x9  }
0xb4: {  	_ =	task.clear_ibuf [dreg:s5], $0x5FFFF;
	_ =	strace $0x90000046  }
0xb5: {  	s26 =	simm.s32 $0x9;
	_ =	strace $0x80000048  }
0xb6: {  	_ =	swait.ge [sflag:s26], $0x1  }
0xb7: {  	[sflag:s26] =	ssyncadd.s32 $0xFFFFFFFF  }
0xb8: {  	_ =	strace $0x90000048  }
0xb9: {  	_ =	sfence  }
0xba: {  	s28 =	sld [smem:$0x0];
	_ =	sdelay $0x1  }
0xbb: {  	s29 =	srdreg.scid  }
0xbc: {  	s30 =	sshll.u32 s29, $0xD;
	s31 =	sshrl.u32 s29, $0x2  }
0xbd: {  	s2 =	sand.u32 $0x4000, s30;
	s1 =	sand.u32 $0x1, s29;
	s0 =	sadd.s32 s31, s28  }
0xbe: {  	s1 =	sor.u32 s2, s1;
	s0 =	sshll.u32 s0, $0x11  }
0xbf: {  	s0 =	sor.u32 s0, s1  }
0xc0: {  	s0 =	sadd.s32 $0x8F2B, s0  }
0xc1: {  	[sflag:s0] =	ssyncadd.remote.s32 $0x1  }
0xc2: {  	_ =	sfence.sel $0xFFFF  }
0xc3: {  	[dreg:$0x0] =	wrdreg $0xFFFFFFFF;
	(pc) =	sbr.abs _section_cstart, $3  }
0xc4: {  	[dreg:$0x1] =	wrdreg $0xFFFFFFFF  }
0xc5: {  	_ =	task.clear_ibuf [dreg:s5], $0x2FFFF;
	_ =	strace $0x9FFFFFFF  }
0xc6: {  	(tm) =	ssettm $0x7FFFFFFF  }
0xc7: {  	_ =	shalt  }
tec
execute0_lowered:
.L_overlay_start_1:
0x0: {  	(tag) =	ssettag $0x1  }
0x1: {  	s1 =	rddreg [dreg:$0x0]  }
0x2: {  	s4 =	rddreg [dreg:$0x1];
	s2 =	simm.s32 $0x0  }
0x3: {  	[smem:$0x7FF] =	sst s2  }
0x4: {  	s0 =	rddreg [dreg:$0x2];
	s3 =	simm.s32 $0x1;
	_ =	strace $0x80000047  }
0x5: {  	[tilespmem:s2], [sflag:$0x1] =	stream.linear.gather [hbm4b:s1+s2], $0x40, $0x38;
	[tilespmem:$0x880] =	vst v63  }
0x6: {  	s1 =	stileid.u32;
	_ =	swait.ge [sflag:s3], $0x40  }
0x7: {  	s5 =	sshll.u32 s1, $0x2;
	[sflag:s3] =	ssyncset.done $0x0  }
0x8: {  	s5 =	sand.u32 $0x38, s5;
	[sflag:s3] =	ssyncadd.s32 $0xFFFFFFC0  }
0x9: {  	v0 =	vld [tilespmem:s5+$0x0];
	_ =	sdelay $0x4  }
0xa: {  	(v2sf) =	vpush v0, $0x0  }
0xb: {  	(v2sf) =	vpush v0, $0x1  }
0xc: {  	(v2sf) =	vpush v0, $0x2  }
0xd: {  	(v2sf) =	vpush v0, $0x3  }
0xe: {  	(v2sf) =	vpush v0, $0x4  }
0xf: {  	(v2sf) =	vpush v0, $0x5  }
0x10: {  	(v2sf) =	vpush v0, $0x6  }
0x11: {  	(v2sf) =	vpush v0, $0x7;
	_ =	sdelay $0x7  }
0x12: {  	s30 =	sshll.u32 s1, $0x4;
	s10 =	spop (v2sf)  }
0x13: {  	s13 =	sand.u32 $0x10, s30;
	s11 =	spop (v2sf)  }
0x14: {  	p0 =	seq.s32 s10, s13;
	s31 =	spop (v2sf);
	p1 =	seq.s32 s11, s13  }
0x15: {  	s6 =	spop (v2sf);
	p0 =	por p0, p1;
	p3 =	seq.s32 s31, s13  }
0x16: {  	s7 =	spop (v2sf);
	p0 =	por p3, p0;
	p4 =	seq.s32 s6, s13  }
0x17: {  	s8 =	spop (v2sf);
	p0 =	por p4, p0;
	p5 =	seq.s32 s7, s13  }
0x18: {  	s9 =	spop (v2sf);
	p0 =	por p5, p0;
	p6 =	seq.s32 s8, s13  }
0x19: {  	p0 =	por p6, p0;
	p2 =	seq.s32 s9, s13;
	s12 =	spop (v2sf)  }
0x1a: {  	p0 =	por p2, p0;
	p3 =	seq.s32 s12, s13  }
0x1b: {  	s15 =	simm.s32 $0x1;
	s14 =	sor.u32 $0x1, s13;
	p0 =	por p3, p0  }
0x1c: {  	p4 =	seq.s32 s10, s14;
	p5 =	seq.s32 s11, s14;
	s15 =	simm.s32 @!p0 $0x0  }
0x1d: {  	p6 =	seq.s32 s31, s14;
	p0 =	por p4, p5;
	v49 =	vmov s15  }
0x1e: {  	p2 =	seq.s32 s6, s14;
	p0 =	por p6, p0;
	[tilespmem:$0x80] =	vst v49  }
0x1f: {  	p3 =	seq.s32 s7, s14;
	[tilespmem:$0x90] =	vst v49;
	p0 =	por p2, p0  }
0x20: {  	p4 =	seq.s32 s8, s14;
	[tilespmem:$0xA0] =	vst v49;
	p0 =	por p3, p0  }
0x21: {  	p5 =	seq.s32 s9, s14;
	[tilespmem:$0xB0] =	vst v49;
	p0 =	por p4, p0  }
0x22: {  	p6 =	seq.s32 s12, s14;
	[tilespmem:$0xC0] =	vst v49;
	p0 =	por p5, p0  }
0x23: {  	s16 =	sor.u32 $0x2, s13;
	s15 =	simm.s32 $0x1;
	[tilespmem:$0xD0] =	vst v49;
	p0 =	por p6, p0  }
0x24: {  	p1 =	seq.s32 s10, s16;
	[tilespmem:$0xE0] =	vst v49;
	p2 =	seq.s32 s11, s16;
	s15 =	simm.s32 @!p0 $0x0  }
0x25: {  	[tilespmem:$0xF0] =	vst v49;
	p3 =	seq.s32 s31, s16;
	p0 =	por p1, p2;
	v50 =	vmov s15  }
0x26: {  	p4 =	seq.s32 s6, s16;
	p0 =	por p3, p0;
	[tilespmem:$0x100] =	vst v50  }
0x27: {  	p5 =	seq.s32 s7, s16;
	[tilespmem:$0x110] =	vst v50;
	p0 =	por p4, p0  }
0x28: {  	p6 =	seq.s32 s8, s16;
	[tilespmem:$0x120] =	vst v50;
	p0 =	por p5, p0  }
0x29: {  	p2 =	seq.s32 s9, s16;
	[tilespmem:$0x130] =	vst v50;
	p0 =	por p6, p0  }
0x2a: {  	p3 =	seq.s32 s12, s16;
	[tilespmem:$0x140] =	vst v50;
	p0 =	por p2, p0  }
0x2b: {  	s17 =	sor.u32 $0x3, s13;
	s15 =	simm.s32 $0x1;
	[tilespmem:$0x150] =	vst v50;
	p0 =	por p3, p0  }
0x2c: {  	[tilespmem:$0x160] =	vst v50;
	p4 =	seq.s32 s10, s17;
	p5 =	seq.s32 s11, s17;
	s15 =	simm.s32 @!p0 $0x0  }
0x2d: {  	[tilespmem:$0x170] =	vst v50;
	p6 =	seq.s32 s31, s17;
	p0 =	por p4, p5;
	v51 =	vmov s15  }
0x2e: {  	p2 =	seq.s32 s6, s17;
	p0 =	por p6, p0;
	[tilespmem:$0x180] =	vst v51  }
0x2f: {  	p3 =	seq.s32 s7, s17;
	[tilespmem:$0x190] =	vst v51;
	p0 =	por p2, p0  }
0x30: {  	p4 =	seq.s32 s8, s17;
	[tilespmem:$0x1A0] =	vst v51;
	p0 =	por p3, p0  }
0x31: {  	p5 =	seq.s32 s9, s17;
	[tilespmem:$0x1B0] =	vst v51;
	p0 =	por p4, p0  }
0x32: {  	p6 =	seq.s32 s12, s17;
	[tilespmem:$0x1C0] =	vst v51;
	p0 =	por p5, p0  }
0x33: {  	s18 =	sor.u32 $0x4, s13;
	s15 =	simm.s32 $0x1;
	[tilespmem:$0x1D0] =	vst v51;
	p0 =	por p6, p0  }
0x34: {  	p1 =	seq.s32 s10, s18;
	[tilespmem:$0x1E0] =	vst v51;
	p2 =	seq.s32 s11, s18;
	s15 =	simm.s32 @!p0 $0x0  }
0x35: {  	[tilespmem:$0x1F0] =	vst v51;
	p3 =	seq.s32 s31, s18;
	p0 =	por p1, p2;
	v52 =	vmov s15  }
0x36: {  	p4 =	seq.s32 s6, s18;
	p0 =	por p3, p0;
	[tilespmem:$0x200] =	vst v52  }
0x37: {  	p5 =	seq.s32 s7, s18;
	[tilespmem:$0x210] =	vst v52;
	p0 =	por p4, p0  }
0x38: {  	p6 =	seq.s32 s8, s18;
	[tilespmem:$0x220] =	vst v52;
	p0 =	por p5, p0  }
0x39: {  	p2 =	seq.s32 s9, s18;
	[tilespmem:$0x230] =	vst v52;
	p0 =	por p6, p0  }
0x3a: {  	p3 =	seq.s32 s12, s18;
	[tilespmem:$0x240] =	vst v52;
	p0 =	por p2, p0  }
0x3b: {  	s19 =	sor.u32 $0x5, s13;
	s15 =	simm.s32 $0x1;
	[tilespmem:$0x250] =	vst v52;
	p0 =	por p3, p0  }
0x3c: {  	[tilespmem:$0x260] =	vst v52;
	p4 =	seq.s32 s10, s19;
	p5 =	seq.s32 s11, s19;
	s15 =	simm.s32 @!p0 $0x0  }
0x3d: {  	[tilespmem:$0x270] =	vst v52;
	p6 =	seq.s32 s31, s19;
	p0 =	por p4, p5;
	v53 =	vmov s15  }
0x3e: {  	p2 =	seq.s32 s6, s19;
	p0 =	por p6, p0;
	[tilespmem:$0x280] =	vst v53  }
0x3f: {  	p3 =	seq.s32 s7, s19;
	[tilespmem:$0x290] =	vst v53;
	p0 =	por p2, p0  }
0x40: {  	p4 =	seq.s32 s8, s19;
	[tilespmem:$0x2A0] =	vst v53;
	p0 =	por p3, p0  }
0x41: {  	p5 =	seq.s32 s9, s19;
	[tilespmem:$0x2B0] =	vst v53;
	p0 =	por p4, p0  }
0x42: {  	p6 =	seq.s32 s12, s19;
	[tilespmem:$0x2C0] =	vst v53;
	p0 =	por p5, p0  }
0x43: {  	s20 =	sor.u32 $0x6, s13;
	s15 =	simm.s32 $0x1;
	[tilespmem:$0x2D0] =	vst v53;
	p0 =	por p6, p0  }
0x44: {  	p1 =	seq.s32 s10, s20;
	[tilespmem:$0x2E0] =	vst v53;
	p2 =	seq.s32 s11, s20;
	s15 =	simm.s32 @!p0 $0x0  }
0x45: {  	[tilespmem:$0x2F0] =	vst v53;
	p3 =	seq.s32 s31, s20;
	p0 =	por p1, p2;
	v54 =	vmov s15  }
0x46: {  	p4 =	seq.s32 s6, s20;
	p0 =	por p3, p0;
	[tilespmem:$0x300] =	vst v54  }
0x47: {  	p5 =	seq.s32 s7, s20;
	[tilespmem:$0x310] =	vst v54;
	p0 =	por p4, p0  }
0x48: {  	p6 =	seq.s32 s8, s20;
	[tilespmem:$0x320] =	vst v54;
	p0 =	por p5, p0  }
0x49: {  	p2 =	seq.s32 s9, s20;
	[tilespmem:$0x330] =	vst v54;
	p0 =	por p6, p0  }
0x4a: {  	p3 =	seq.s32 s12, s20;
	[tilespmem:$0x340] =	vst v54;
	p0 =	por p2, p0  }
0x4b: {  	s21 =	sor.u32 $0x7, s13;
	s15 =	simm.s32 $0x1;
	[tilespmem:$0x350] =	vst v54;
	p0 =	por p3, p0  }
0x4c: {  	[tilespmem:$0x360] =	vst v54;
	p4 =	seq.s32 s10, s21;
	p5 =	seq.s32 s11, s21;
	s15 =	simm.s32 @!p0 $0x0  }
0x4d: {  	[tilespmem:$0x370] =	vst v54;
	p6 =	seq.s32 s31, s21;
	p0 =	por p4, p5;
	v55 =	vmov s15  }
0x4e: {  	p2 =	seq.s32 s6, s21;
	p0 =	por p6, p0;
	[tilespmem:$0x380] =	vst v55  }
0x4f: {  	p3 =	seq.s32 s7, s21;
	[tilespmem:$0x390] =	vst v55;
	p0 =	por p2, p0  }
0x50: {  	p4 =	seq.s32 s8, s21;
	[tilespmem:$0x3A0] =	vst v55;
	p0 =	por p3, p0  }
0x51: {  	p5 =	seq.s32 s9, s21;
	[tilespmem:$0x3B0] =	vst v55;
	p0 =	por p4, p0  }
0x52: {  	p6 =	seq.s32 s12, s21;
	[tilespmem:$0x3C0] =	vst v55;
	p0 =	por p5, p0  }
0x53: {  	s22 =	sor.u32 $0x8, s13;
	s15 =	simm.s32 $0x1;
	[tilespmem:$0x3D0] =	vst v55;
	p0 =	por p6, p0  }
0x54: {  	p1 =	seq.s32 s10, s22;
	[tilespmem:$0x3E0] =	vst v55;
	p2 =	seq.s32 s11, s22;
	s15 =	simm.s32 @!p0 $0x0  }
0x55: {  	[tilespmem:$0x3F0] =	vst v55;
	p3 =	seq.s32 s31, s22;
	p0 =	por p1, p2;
	v56 =	vmov s15  }
0x56: {  	p4 =	seq.s32 s6, s22;
	p0 =	por p3, p0;
	[tilespmem:$0x400] =	vst v56  }
0x57: {  	p5 =	seq.s32 s7, s22;
	[tilespmem:$0x410] =	vst v56;
	p0 =	por p4, p0  }
0x58: {  	p6 =	seq.s32 s8, s22;
	[tilespmem:$0x420] =	vst v56;
	p0 =	por p5, p0  }
0x59: {  	p2 =	seq.s32 s9, s22;
	[tilespmem:$0x430] =	vst v56;
	p0 =	por p6, p0  }
0x5a: {  	p3 =	seq.s32 s12, s22;
	[tilespmem:$0x440] =	vst v56;
	p0 =	por p2, p0  }
0x5b: {  	s23 =	sor.u32 $0x9, s13;
	s15 =	simm.s32 $0x1;
	[tilespmem:$0x450] =	vst v56;
	p0 =	por p3, p0  }
0x5c: {  	[tilespmem:$0x460] =	vst v56;
	p4 =	seq.s32 s10, s23;
	p5 =	seq.s32 s11, s23;
	s15 =	simm.s32 @!p0 $0x0  }
0x5d: {  	[tilespmem:$0x470] =	vst v56;
	p6 =	seq.s32 s31, s23;
	p0 =	por p4, p5;
	v57 =	vmov s15  }
0x5e: {  	p2 =	seq.s32 s6, s23;
	p0 =	por p6, p0;
	[tilespmem:$0x480] =	vst v57  }
0x5f: {  	p3 =	seq.s32 s7, s23;
	[tilespmem:$0x490] =	vst v57;
	p0 =	por p2, p0  }
0x60: {  	p4 =	seq.s32 s8, s23;
	[tilespmem:$0x4A0] =	vst v57;
	p0 =	por p3, p0  }
0x61: {  	p5 =	seq.s32 s9, s23;
	[tilespmem:$0x4B0] =	vst v57;
	p0 =	por p4, p0  }
0x62: {  	p6 =	seq.s32 s12, s23;
	[tilespmem:$0x4C0] =	vst v57;
	p0 =	por p5, p0  }
0x63: {  	s24 =	sor.u32 $0xA, s13;
	s15 =	simm.s32 $0x1;
	[tilespmem:$0x4D0] =	vst v57;
	p0 =	por p6, p0  }
0x64: {  	p1 =	seq.s32 s10, s24;
	[tilespmem:$0x4E0] =	vst v57;
	p2 =	seq.s32 s11, s24;
	s15 =	simm.s32 @!p0 $0x0  }
0x65: {  	[tilespmem:$0x4F0] =	vst v57;
	p3 =	seq.s32 s31, s24;
	p0 =	por p1, p2;
	v58 =	vmov s15  }
0x66: {  	p4 =	seq.s32 s6, s24;
	p0 =	por p3, p0;
	[tilespmem:$0x500] =	vst v58  }
0x67: {  	p5 =	seq.s32 s7, s24;
	[tilespmem:$0x510] =	vst v58;
	p0 =	por p4, p0  }
0x68: {  	p6 =	seq.s32 s8, s24;
	[tilespmem:$0x520] =	vst v58;
	p0 =	por p5, p0  }
0x69: {  	p2 =	seq.s32 s9, s24;
	[tilespmem:$0x530] =	vst v58;
	p0 =	por p6, p0  }
0x6a: {  	p3 =	seq.s32 s12, s24;
	[tilespmem:$0x540] =	vst v58;
	p0 =	por p2, p0  }
0x6b: {  	s25 =	sor.u32 $0xB, s13;
	s15 =	simm.s32 $0x1;
	[tilespmem:$0x550] =	vst v58;
	p0 =	por p3, p0  }
0x6c: {  	[tilespmem:$0x560] =	vst v58;
	p4 =	seq.s32 s10, s25;
	p5 =	seq.s32 s11, s25;
	s15 =	simm.s32 @!p0 $0x0  }
0x6d: {  	[tilespmem:$0x570] =	vst v58;
	p6 =	seq.s32 s31, s25;
	p0 =	por p4, p5;
	v59 =	vmov s15  }
0x6e: {  	p2 =	seq.s32 s6, s25;
	p0 =	por p6, p0;
	[tilespmem:$0x580] =	vst v59  }
0x6f: {  	p3 =	seq.s32 s7, s25;
	[tilespmem:$0x590] =	vst v59;
	p0 =	por p2, p0  }
0x70: {  	p4 =	seq.s32 s8, s25;
	[tilespmem:$0x5A0] =	vst v59;
	p0 =	por p3, p0  }
0x71: {  	p5 =	seq.s32 s9, s25;
	[tilespmem:$0x5B0] =	vst v59;
	p0 =	por p4, p0  }
0x72: {  	p6 =	seq.s32 s12, s25;
	[tilespmem:$0x5C0] =	vst v59;
	p0 =	por p5, p0  }
0x73: {  	s26 =	sor.u32 $0xC, s13;
	s15 =	simm.s32 $0x1;
	[tilespmem:$0x5D0] =	vst v59;
	p0 =	por p6, p0  }
0x74: {  	p1 =	seq.s32 s10, s26;
	[tilespmem:$0x5E0] =	vst v59;
	p2 =	seq.s32 s11, s26;
	s15 =	simm.s32 @!p0 $0x0  }
0x75: {  	[tilespmem:$0x5F0] =	vst v59;
	p3 =	seq.s32 s31, s26;
	p0 =	por p1, p2;
	v60 =	vmov s15  }
0x76: {  	p4 =	seq.s32 s6, s26;
	p0 =	por p3, p0;
	[tilespmem:$0x600] =	vst v60  }
0x77: {  	p5 =	seq.s32 s7, s26;
	[tilespmem:$0x610] =	vst v60;
	p0 =	por p4, p0  }
0x78: {  	p6 =	seq.s32 s8, s26;
	[tilespmem:$0x620] =	vst v60;
	p0 =	por p5, p0  }
0x79: {  	p2 =	seq.s32 s9, s26;
	[tilespmem:$0x630] =	vst v60;
	p0 =	por p6, p0  }
0x7a: {  	p3 =	seq.s32 s12, s26;
	[tilespmem:$0x640] =	vst v60;
	p0 =	por p2, p0  }
0x7b: {  	s28 =	sor.u32 $0xD, s13;
	s15 =	simm.s32 $0x1;
	[tilespmem:$0x650] =	vst v60;
	p0 =	por p3, p0  }
0x7c: {  	[tilespmem:$0x660] =	vst v60;
	p4 =	seq.s32 s10, s28;
	p5 =	seq.s32 s11, s28;
	s15 =	simm.s32 @!p0 $0x0  }
0x7d: {  	[tilespmem:$0x670] =	vst v60;
	p6 =	seq.s32 s31, s28;
	p0 =	por p4, p5;
	v61 =	vmov s15  }
0x7e: {  	p2 =	seq.s32 s6, s28;
	p0 =	por p6, p0;
	[tilespmem:$0x680] =	vst v61  }
0x7f: {  	p3 =	seq.s32 s7, s28;
	[tilespmem:$0x690] =	vst v61;
	p0 =	por p2, p0  }
0x80: {  	p4 =	seq.s32 s8, s28;
	[tilespmem:$0x6A0] =	vst v61;
	p0 =	por p3, p0  }
0x81: {  	p5 =	seq.s32 s9, s28;
	[tilespmem:$0x6B0] =	vst v61;
	p0 =	por p4, p0  }
0x82: {  	p6 =	seq.s32 s12, s28;
	[tilespmem:$0x6C0] =	vst v61;
	p0 =	por p5, p0  }
0x83: {  	s29 =	sor.u32 $0xE, s13;
	s15 =	simm.s32 $0x1;
	[tilespmem:$0x6D0] =	vst v61;
	p0 =	por p6, p0  }
0x84: {  	p1 =	seq.s32 s10, s29;
	[tilespmem:$0x6E0] =	vst v61;
	p2 =	seq.s32 s11, s29;
	s15 =	simm.s32 @!p0 $0x0  }
0x85: {  	[tilespmem:$0x6F0] =	vst v61;
	p3 =	seq.s32 s31, s29;
	p0 =	por p1, p2;
	v1 =	vmov s15  }
0x86: {  	p4 =	seq.s32 s6, s29;
	p0 =	por p3, p0;
	[tilespmem:$0x700] =	vst v1  }
0x87: {  	p5 =	seq.s32 s7, s29;
	[tilespmem:$0x710] =	vst v1;
	p0 =	por p4, p0  }
0x88: {  	p6 =	seq.s32 s8, s29;
	[tilespmem:$0x720] =	vst v1;
	p0 =	por p5, p0  }
0x89: {  	p2 =	seq.s32 s9, s29;
	[tilespmem:$0x730] =	vst v1;
	p0 =	por p6, p0  }
0x8a: {  	p3 =	seq.s32 s12, s29;
	[tilespmem:$0x740] =	vst v1;
	p0 =	por p2, p0  }
0x8b: {  	s13 =	sor.u32 $0xF, s13;
	s14 =	simm.s32 $0x1;
	[tilespmem:$0x750] =	vst v1;
	p0 =	por p3, p0  }
0x8c: {  	p4 =	seq.s32 s10, s13;
	[tilespmem:$0x760] =	vst v1;
	p2 =	seq.s32 s11, s13;
	s14 =	simm.s32 @!p0 $0x0  }
0x8d: {  	[tilespmem:$0x770] =	vst v1;
	p5 =	seq.s32 s31, s13;
	p1 =	por p4, p2;
	v62 =	vmov s14  }
0x8e: {  	p6 =	seq.s32 s6, s13;
	p0 =	por p5, p1;
	[tilespmem:$0x780] =	vst v62  }
0x8f: {  	p3 =	seq.s32 s7, s13;
	p0 =	por p6, p0;
	[tilespmem:$0x790] =	vst v62  }
0x90: {  	p4 =	seq.s32 s8, s13;
	[tilespmem:$0x7A0] =	vst v62;
	p0 =	por p3, p0  }
0x91: {  	p5 =	seq.s32 s9, s13;
	[tilespmem:$0x7B0] =	vst v62;
	p0 =	por p4, p0  }
0x92: {  	p6 =	seq.s32 s12, s13;
	[tilespmem:$0x7C0] =	vst v62;
	p0 =	por p5, p0  }
0x93: {  	s5 =	simm.s32 $0x1;
	[tilespmem:$0x7D0] =	vst v62;
	p0 =	por p6, p0  }
0x94: {  	[tilespmem:$0x7E0] =	vst v62;
	s5 =	simm.s32 @!p0 $0x0  }
0x95: {  	[tilespmem:$0x7F0] =	vst v62;
	v63 =	vmov s5  }
0x96: {  	[tilespmem:$0x800] =	vst v63  }
0x97: {  	[tilespmem:$0x810] =	vst v63  }
0x98: {  	[tilespmem:$0x820] =	vst v63  }
0x99: {  	[tilespmem:$0x830] =	vst v63  }
0x9a: {  	[tilespmem:$0x840] =	vst v63  }
0x9b: {  	s30 =	sshll.u32 s1, $0x8;
	[tilespmem:$0x850] =	vst v63  }
0x9c: {  	s4 =	sadd.s32 s30, s4;
	[tilespmem:$0x860] =	vst v63  }
0x9d: {  	s4 =	sadd.s32 $0x600, s4;
	s31 =	simm.s32 $0x80;
	[tilespmem:$0x870] =	vst v63  }
0x9e: {  	[hbm4b:s4+s2] =	stream.linear.scatter [tilespmem:s31], [sflag:$0x1], $0x800, $0x38;
	[tilespmem:$0x880] =	vst v63  }
0x9f: {  	_ =	swait.ge [sflag:s3], $0x800  }
0xa0: {  	[sflag:s3] =	ssyncset.done $0x0  }
0xa1: {  	[sflag:s3] =	ssyncadd.s32 $0xFFFFF800  }
0xa2: {  	_ =	sfence.sel $0x180000  }
0xa3: {  	[bflag:$0x0] =	sbarrier.arrive $0xFFFF  }
0xa4: {  	p0 =	sne.s32 s1, $0x0;
	_ =	strace $0x90000047  }
0xa5: {  	s0 =	sadd.s32 @!p0 $0x100000, s0;
	[bflag:$0x2] =	sbarrier.arrive $0xFFFF  }
0xa6: {  	[sflag:s0] =	ssyncadd.tile.s32 @!p0 $0x1;
	_ =	shalt  }
.Lfunc_end2:
_tile_overlayer_lowered:
.L_overlay_start_2:
0xa7: {  	(tag) =	ssettag $0x2  }
0xa8: {  	s0 =	rddreg [dreg:$0x0];
	s2 =	stileid.u32  }
0xa9: {  	s1 =	rddreg [dreg:$0x1];
	p0 =	sne.s32 s2, $0x0  }
0xaa: {  	s3 =	rddreg [dreg:$0x2];
	[bflag:$0x3] =	sbarrier.arrive $0xFFFF;
	s2 =	simm.s32 @!p0 $0x1C01  }
0xab: {  	[timem:s3], [sflag:s2] =	dma.local @!p0 [hbm:s0], s1  }
0xac: {  	s0 =	simm.s32 @!p0 $0x1  }
0xad: {  	_ =	swait.ge @!p0 [sflag:s0], s1  }
0xae: {  	s1 =	ssub.s32 @!p0 $0x0, s1;
	[sflag:s0] =	ssyncset.done @!p0 $0x0  }
0xaf: {  	[sflag:s0] =	ssyncadd.s32 @!p0 s1  }
0xb0: {  	[bflag:$0x3] =	sbarrier.arrive $0xFFFF  }
0xb1: {  	_ =	shalt  }

</sc_bundles>
